<compile_context>
chip_gen: v7x
topology: tpu7x:2x2x1
jax: 0.10.2.dev20260603
libtpu: 0.0.44.dev20260713+nightly
codegen_flags: <defaults>
</compile_context>

<pallas_src>
import jax
import jax.numpy as jnp
from jax import lax
from jax.experimental import pallas as pl
from jax.experimental.pallas import tpu as pltpu
from jax.experimental.pallas import tpu_sc as plsc

N_TOKEN = 1000000
EMB_DIM = 64
BATCH = 16384
HIST = 20

NC = 2
NS = 16
NW = NC * NS

B = BATCH * HIST
B_PER_W = B // NW
CHUNK = 128
N_CHUNKS = B_PER_W // CHUNK
NBUF = 8
T = N_CHUNKS // NBUF

VB = 32768
NVB = (N_TOKEN + VB - 1) // VB
N2 = NVB * VB


def _tr_body(wt_ref, out_ref):
    lo = wt_ref[:, : VB // 2]
    hi = wt_ref[:, VB // 2 :]
    stacked = jnp.concatenate([lo, hi], axis=0)
    out_ref[...] = jnp.transpose(stacked, (1, 0))


def _transpose_tc(wT):
    return pl.pallas_call(
        _tr_body,
        grid=(NVB,),
        in_specs=[pl.BlockSpec((EMB_DIM, VB), lambda j: (0, j))],
        out_specs=pl.BlockSpec((VB // 2, 128), lambda j: (j, 0)),
        out_shape=jax.ShapeDtypeStruct((N2 // 2, 128), jnp.float32),
    )(wT)


BLK_B = 2048
NBB = BATCH // BLK_B
RPB = BLK_B * HIST * EMB_DIM // 128


def _ot_body(in_ref, out_ref):
    whole = in_ref[...]
    w3 = whole.reshape(BLK_B, HIST * EMB_DIM // 128, 128)
    for k in range(HIST // 2):
        t = jnp.transpose(w3[:, k, :], (1, 0))
        out_ref[2 * k] = t[:EMB_DIM]
        out_ref[2 * k + 1] = t[EMB_DIM:]


def _out_transpose(o2):
    return pl.pallas_call(
        _ot_body,
        grid=(NBB,),
        in_specs=[pl.BlockSpec((RPB, 128), lambda i: (i, 0))],
        out_specs=pl.BlockSpec((HIST, EMB_DIM, BLK_B), lambda i: (0, 0, i)),
        out_shape=jax.ShapeDtypeStruct((HIST, EMB_DIM, BATCH), jnp.float32),
    )(o2)


def _emb_body(idx_hbm, table_hbm, out_hbm, idx_v, rows_v, sems):
    wid = lax.axis_index("s") * NC + lax.axis_index("c")
    base = wid * B_PER_W

    pltpu.sync_copy(idx_hbm.at[wid], idx_v)

    def remap(i, carry):
        r = i // (CHUNK // 16)
        c = (i % (CHUNK // 16)) * 16
        v = idx_v[r, pl.ds(c, 16)]
        rp = v & (VB - 1)
        lo = v + rp
        row = jnp.where(rp < VB // 2, lo, lo - (VB - 1))
        idx_v[r, pl.ds(c, 16)] = row
        return carry

    lax.fori_loop(0, N_CHUNKS * (CHUNK // 16), remap, 0)

    def start(b, j):
        pltpu.async_copy(table_hbm.at[idx_v.at[j]], rows_v.at[b], sems.at[b])

    def finish(b, j):
        pltpu.make_async_copy(
            table_hbm.at[idx_v.at[j]], rows_v.at[b], sems.at[b]
        ).wait()
        pltpu.sync_copy(rows_v.at[b], out_hbm.at[pl.ds(base + j * CHUNK, CHUNK)])

    for b in range(NBUF):
        start(b, b)

    def body(it, carry):
        for b in range(NBUF):
            j = it * NBUF + b
            finish(b, j)
            start(b, j + NBUF)
        return carry

    lax.fori_loop(0, T - 1, body, 0)

    for b in range(NBUF):
        finish(b, (T - 1) * NBUF + b)


@jax.jit
def _emb_call(x_flat, table):
    mesh = plsc.VectorSubcoreMesh(core_axis_name="c", subcore_axis_name="s")
    kern = pl.kernel(
        _emb_body,
        out_type=jax.ShapeDtypeStruct((B, EMB_DIM), jnp.float32),
        mesh=mesh,
        scratch_types=[
            pltpu.VMEM((N_CHUNKS, CHUNK), jnp.int32),
            pltpu.VMEM((NBUF, CHUNK, EMB_DIM), jnp.float32),
            pltpu.SemaphoreType.DMA((NBUF,)),
        ],
        compiler_params=pltpu.CompilerParams(use_tc_tiling_on_sc=False),
    )
    return kern(x_flat, table)


def kernel(x, weight):
    w2 = _transpose_tc(weight.T)
    table = w2.reshape(N2, EMB_DIM)
    x_flat = x.reshape(NW, N_CHUNKS, CHUNK).astype(jnp.int32)
    out = _emb_call(x_flat, table)
    o2 = out.reshape(B * EMB_DIM // 128, 128)
    outT = _out_transpose(o2)
    return jnp.transpose(outT, (2, 0, 1))

# --- scband reference (transcript-rebuilt; emitter-appended) ---
"""Pipeline reference for scband-class-embedding-24008867185106 (READ-ONLY COPY).

The authoritative reference and input builder live on the scoring server;
editing this copy changes nothing except your own understanding.
"""

import jax, jax.numpy as jnp
import numpy as np

N_TOKEN = 1000000
EMB_DIM = 64
BATCH = 16384
HIST = 20

def setup_inputs(seed: int = 0) -> dict:
    key = jax.random.key(seed)
    k1, k2 = jax.random.split(key)
    x = jax.random.randint(k1, (BATCH, HIST), 0, N_TOKEN, dtype=jnp.int64 if jax.config.jax_enable_x64 else jnp.int32)
    weight = jax.random.normal(k2, (N_TOKEN, EMB_DIM), dtype=jnp.float32) * 0.02
    return {"x": x, "weight": weight}

def reference(x, weight):
    # nn.Embedding forward: row gather from the embedding table
    emb = jnp.take(weight, x, axis=0)
    return emb

if __name__ == "__main__":
    import jax
    _d = setup_inputs()
    print(jax.jit(kernel)(*tuple(_d.values())))

</pallas_src>

<mosaic_0001>
#map = affine_map<(d0, d1) -> (0, 0, 0)>
#map1 = affine_map<(d0, d1) -> (0, 0)>
module attributes {stable_mosaic.version = 14 : i64} {
  func.func @_emb_body(%arg0: i32, %arg1: i32, %arg2: memref<32x80x128xi32, #tpu.memory_space<hbm>>, %arg3: memref<1015808x64xf32, #tpu.memory_space<hbm>>, %arg4: memref<327680x64xf32, #tpu.memory_space<hbm>>, %arg5: memref<80x128xi32, #tpu.memory_space<vmem>>, %arg6: memref<8x128x64xf32, #tpu.memory_space<vmem>>, %arg7: memref<8x!tpu.dma_semaphore, #tpu.memory_space<semaphore_mem>>) attributes {dimension_semantics = [#tpu.dimension_semantics<core_parallel>, #tpu.dimension_semantics<subcore_parallel>], iteration_bounds = array<i64: 2, 16>, scalar_prefetch = 0 : i64, scratch_operands = 3 : i64, tpu.core_type = #tpu.core_type<sc_vector_subcore>, window_params = [{transform_indices = #map}, {transform_indices = #map1}, {transform_indices = #map1}]} {
    %mul3A = arith.constant 2 : i32
    %mul3A_0 = arith.muli %arg1, %mul3A : i32
    %add3A = arith.addi %mul3A_0, %arg0 : i32
    %mul3A_1 = arith.constant 10240 : i32
    %mul3A_2 = arith.muli %add3A, %mul3A_1 : i32
    "tpu.region"() ({
      %run_scoped3A_275 = tpu.sem_alloc : memref<!tpu.dma_semaphore, #tpu.memory_space<semaphore_mem>>
      %dma_start3A_276 = arith.constant 0 : i32
      %dma_start3A_277 = arith.constant 0 : i32
      %dma_start3A_278 = tpu.memref_slice %arg2[%add3A, %dma_start3A_276, %dma_start3A_277] : memref<32x80x128xi32, #tpu.memory_space<hbm>> -> memref<1x80x128xi32, #tpu.memory_space<hbm>>
      %dma_start3A_279 = tpu.memref_squeeze %dma_start3A_278 : memref<1x80x128xi32, #tpu.memory_space<hbm>> -> memref<80x128xi32, #tpu.memory_space<hbm>>
      %dma_start3A_280 = arith.constant 0 : i32
      %dma_start3A_281 = arith.constant 0 : i32
      %dma_start3A_282 = tpu.memref_slice %arg2[%add3A, %dma_start3A_280, %dma_start3A_281] : memref<32x80x128xi32, #tpu.memory_space<hbm>> -> memref<1x80x128xi32, #tpu.memory_space<hbm>>
      %dma_start3A_283 = tpu.memref_squeeze %dma_start3A_282 : memref<1x80x128xi32, #tpu.memory_space<hbm>> -> memref<80x128xi32, #tpu.memory_space<hbm>>
      tpu.enqueue_dma source(%dma_start3A_283 : memref<80x128xi32, #tpu.memory_space<hbm>>) target(%arg5 : memref<80x128xi32, #tpu.memory_space<vmem>>) target_semaphore(%run_scoped3A_275 : memref<!tpu.dma_semaphore, #tpu.memory_space<semaphore_mem>>)
      %dma_wait3A_284 = arith.constant 0 : i32
      %dma_wait3A_285 = arith.constant 0 : i32
      %dma_wait3A_286 = tpu.memref_slice %arg2[%add3A, %dma_wait3A_284, %dma_wait3A_285] : memref<32x80x128xi32, #tpu.memory_space<hbm>> -> memref<1x80x128xi32, #tpu.memory_space<hbm>>
      %dma_wait3A_287 = tpu.memref_squeeze %dma_wait3A_286 : memref<1x80x128xi32, #tpu.memory_space<hbm>> -> memref<80x128xi32, #tpu.memory_space<hbm>>
      %dma_wait3A_288 = arith.constant 0 : i32
      %dma_wait3A_289 = arith.constant 0 : i32
      %dma_wait3A_290 = tpu.memref_slice %arg2[%add3A, %dma_wait3A_288, %dma_wait3A_289] : memref<32x80x128xi32, #tpu.memory_space<hbm>> -> memref<1x80x128xi32, #tpu.memory_space<hbm>>
      %dma_wait3A_291 = tpu.memref_squeeze %dma_wait3A_290 : memref<1x80x128xi32, #tpu.memory_space<hbm>> -> memref<80x128xi32, #tpu.memory_space<hbm>>
      tpu.wait_dma2 semaphore(%run_scoped3A_275 : memref<!tpu.dma_semaphore, #tpu.memory_space<semaphore_mem>>) src(%dma_wait3A_291 : memref<80x128xi32, #tpu.memory_space<hbm>>) dst(%arg5 : memref<80x128xi32, #tpu.memory_space<vmem>>)
      tpu.yield
    }) : () -> ()
    %scan3A = arith.constant 0 : i32
    %scan3A_3 = arith.constant 0 : i32
    %scan3A_4 = arith.constant 640 : i32
    %scan3A_5 = arith.addi %scan3A_3, %scan3A_4 : i32
    %scan3A_6 = arith.constant 1 : i32
    scf.for %scan3A_275 = %scan3A_3 to %scan3A_5 step %scan3A_6  : i32 {
      %jit3A = arith.constant 8 : i32
      %div3A = arith.divsi %scan3A_275, %jit3A : i32
      %sign3A = arith.constant 0 : i32
      %sign3A_276 = arith.cmpi sgt, %scan3A_275, %sign3A : i32
      %sign3A_277 = arith.extui %sign3A_276 : i1 to i32
      %sign3A_278 = arith.constant 0 : i32
      %sign3A_279 = arith.cmpi slt, %scan3A_275, %sign3A_278 : i32
      %sign3A_280 = arith.extui %sign3A_279 : i1 to i32
      %sign3A_281 = arith.subi %sign3A_277, %sign3A_280 : i32
      %sign3A_282 = arith.constant 0 : i32
      %sign3A_283 = arith.cmpi sgt, %jit3A, %sign3A_282 : i32
      %sign3A_284 = arith.extui %sign3A_283 : i1 to i32
      %sign3A_285 = arith.constant 0 : i32
      %sign3A_286 = arith.cmpi slt, %jit3A, %sign3A_285 : i32
      %sign3A_287 = arith.extui %sign3A_286 : i1 to i32
      %sign3A_288 = arith.subi %sign3A_284, %sign3A_287 : i32
      %ne3A = arith.cmpi ne, %sign3A_281, %sign3A_288 : i32
      %rem3A = arith.remsi %scan3A_275, %jit3A : i32
      %ne3A_289 = arith.constant 0 : i32
      %ne3A_290 = arith.cmpi ne, %rem3A, %ne3A_289 : i32
      %and3A = arith.andi %ne3A, %ne3A_290 : i1
      %sub3A = arith.constant 1 : i32
      %sub3A_291 = arith.subi %div3A, %sub3A : i32
      %select_n3A = arith.select %and3A, %sub3A_291, %div3A : i32
      %jit3A_292 = arith.constant 8 : i32
      %eq3A = arith.constant 0 : i32
      %eq3A_293 = arith.cmpi eq, %jit3A_292, %eq3A : i32
      %jit3A_294 = arith.constant 1 : i32
      %select_n3A_295 = arith.select %eq3A_293, %jit3A_294, %jit3A_292 : i32
      %rem3A_296 = arith.remsi %scan3A_275, %select_n3A_295 : i32
      %ne3A_297 = arith.constant 0 : i32
      %ne3A_298 = arith.cmpi ne, %rem3A_296, %ne3A_297 : i32
      %lt3A = arith.constant 0 : i32
      %lt3A_299 = arith.cmpi slt, %rem3A_296, %lt3A : i32
      %lt3A_300 = arith.constant 0 : i32
      %lt3A_301 = arith.cmpi slt, %select_n3A_295, %lt3A_300 : i32
      %ne3A_302 = arith.xori %lt3A_299, %lt3A_301 : i1
      %and3A_303 = arith.andi %ne3A_302, %ne3A_298 : i1
      %add3A_304 = arith.addi %rem3A_296, %select_n3A_295 : i32
      %select_n3A_305 = arith.select %and3A_303, %add3A_304, %rem3A_296 : i32
      %mul3A_306 = arith.constant 16 : i32
      %mul3A_307 = arith.muli %select_n3A_305, %mul3A_306 : i32
      %get3A = arith.index_cast %select_n3A : i32 to index
      %get3A_308 = arith.index_cast %mul3A_307 : i32 to index
      %get3A_309 = tpu.vector_load %arg5[%get3A, %get3A_308] {strides = array<i32>} : memref<80x128xi32, #tpu.memory_space<vmem>>, vector<1x16xi32>,
      %get3A_310 = vector.shape_cast %get3A_309 : vector<1x16xi32> to vector<16xi32>
      %and3A_311 = arith.constant 32767 : i32
      %and3A_312 = vector.broadcast %and3A_311 : i32 to vector<16xi32>
      %and3A_313 = arith.andi %get3A_310, %and3A_312 : vector<16xi32>
      %add3A_314 = arith.addi %get3A_310, %and3A_313 : vector<16xi32>
      %lt3A_315 = arith.constant 16384 : i32
      %lt3A_316 = vector.broadcast %lt3A_315 : i32 to vector<16xi32>
      %lt3A_317 = arith.cmpi slt, %and3A_313, %lt3A_316 : vector<16xi32>
      %sub3A_318 = arith.constant 32767 : i32
      %sub3A_319 = vector.broadcast %sub3A_318 : i32 to vector<16xi32>
      %sub3A_320 = arith.subi %add3A_314, %sub3A_319 : vector<16xi32>
      %select_n3A_321 = arith.select %lt3A_317, %add3A_314, %sub3A_320 : vector<16xi1>, vector<16xi32>
      %swap3A = arith.index_cast %select_n3A : i32 to index
      %swap3A_322 = arith.index_cast %mul3A_307 : i32 to index
      %swap3A_323 = tpu.vector_load %arg5[%swap3A, %swap3A_322] {strides = array<i32>} : memref<80x128xi32, #tpu.memory_space<vmem>>, vector<1x16xi32>,
      %swap3A_324 = vector.shape_cast %swap3A_323 : vector<1x16xi32> to vector<16xi32>
      %swap3A_325 = vector.shape_cast %select_n3A_321 : vector<16xi32> to vector<1x16xi32>
      tpu.vector_store %arg5[%swap3A, %swap3A_322], %swap3A_325 {strides = array<i32>} : memref<80x128xi32, #tpu.memory_space<vmem>>, vector<1x16xi32>,
    }
    %scan3A_7 = arith.constant 640 : i32
    %dma_start3A = arith.constant 0 : i32
    %dma_start3A_8 = arith.constant 0 : i32
    %dma_start3A_9 = arith.constant 0 : i32
    %dma_start3A_10 = arith.constant 0 : i32
    %dma_start3A_11 = arith.constant 0 : i32
    %dma_start3A_12 = tpu.memref_slice %arg6[%dma_start3A_8, %dma_start3A_10, %dma_start3A_11] : memref<8x128x64xf32, #tpu.memory_space<vmem>> -> memref<1x128x64xf32, #tpu.memory_space<vmem>>
    %dma_start3A_13 = tpu.memref_squeeze %dma_start3A_12 : memref<1x128x64xf32, #tpu.memory_space<vmem>> -> memref<128x64xf32, #tpu.memory_space<vmem>>
    %dma_start3A_14 = arith.constant 0 : i32
    %dma_start3A_15 = tpu.memref_slice %arg5[%dma_start3A, %dma_start3A_14] : memref<80x128xi32, #tpu.memory_space<vmem>> -> memref<1x128xi32, #tpu.memory_space<vmem>>
    %dma_start3A_16 = tpu.memref_squeeze %dma_start3A_15 : memref<1x128xi32, #tpu.memory_space<vmem>> -> memref<128xi32, #tpu.memory_space<vmem>>
    %dma_start3A_17 = arith.constant 0 : i32
    %dma_start3A_18 = arith.constant 0 : i32
    %dma_start3A_19 = tpu.memref_slice %arg3[%dma_start3A_17, %dma_start3A_18] : memref<1015808x64xf32, #tpu.memory_space<hbm>> -> memref<1015808x64xf32, #tpu.memory_space<hbm>>
    %dma_start3A_20 = tpu.memref_slice %arg7[%dma_start3A_9] : memref<8x!tpu.dma_semaphore, #tpu.memory_space<semaphore_mem>> -> memref<1x!tpu.dma_semaphore, #tpu.memory_space<semaphore_mem>>
    %dma_start3A_21 = tpu.memref_squeeze %dma_start3A_20 : memref<1x!tpu.dma_semaphore, #tpu.memory_space<semaphore_mem>> -> memref<!tpu.dma_semaphore, #tpu.memory_space<semaphore_mem>>
    tpu.enqueue_indirect_dma source(%dma_start3A_19 : memref<1015808x64xf32, #tpu.memory_space<hbm>>) target(%dma_start3A_13 : memref<128x64xf32, #tpu.memory_space<vmem>>) offsets(%dma_start3A_16 : memref<128xi32, #tpu.memory_space<vmem>>) semaphore(%dma_start3A_21 : memref<!tpu.dma_semaphore, #tpu.memory_space<semaphore_mem>>)
    %dma_start3A_22 = arith.constant 1 : i32
    %dma_start3A_23 = arith.constant 1 : i32
    %dma_start3A_24 = arith.constant 1 : i32
    %dma_start3A_25 = arith.constant 0 : i32
    %dma_start3A_26 = arith.constant 0 : i32
    %dma_start3A_27 = tpu.memref_slice %arg6[%dma_start3A_23, %dma_start3A_25, %dma_start3A_26] : memref<8x128x64xf32, #tpu.memory_space<vmem>> -> memref<1x128x64xf32, #tpu.memory_space<vmem>>
    %dma_start3A_28 = tpu.memref_squeeze %dma_start3A_27 : memref<1x128x64xf32, #tpu.memory_space<vmem>> -> memref<128x64xf32, #tpu.memory_space<vmem>>
    %dma_start3A_29 = arith.constant 0 : i32
    %dma_start3A_30 = tpu.memref_slice %arg5[%dma_start3A_22, %dma_start3A_29] : memref<80x128xi32, #tpu.memory_space<vmem>> -> memref<1x128xi32, #tpu.memory_space<vmem>>
    %dma_start3A_31 = tpu.memref_squeeze %dma_start3A_30 : memref<1x128xi32, #tpu.memory_space<vmem>> -> memref<128xi32, #tpu.memory_space<vmem>>
    %dma_start3A_32 = arith.constant 0 : i32
    %dma_start3A_33 = arith.constant 0 : i32
    %dma_start3A_34 = tpu.memref_slice %arg3[%dma_start3A_32, %dma_start3A_33] : memref<1015808x64xf32, #tpu.memory_space<hbm>> -> memref<1015808x64xf32, #tpu.memory_space<hbm>>
    %dma_start3A_35 = tpu.memref_slice %arg7[%dma_start3A_24] : memref<8x!tpu.dma_semaphore, #tpu.memory_space<semaphore_mem>> -> memref<1x!tpu.dma_semaphore, #tpu.memory_space<semaphore_mem>>
    %dma_start3A_36 = tpu.memref_squeeze %dma_start3A_35 : memref<1x!tpu.dma_semaphore, #tpu.memory_space<semaphore_mem>> -> memref<!tpu.dma_semaphore, #tpu.memory_space<semaphore_mem>>
    tpu.enqueue_indirect_dma source(%dma_start3A_34 : memref<1015808x64xf32, #tpu.memory_space<hbm>>) target(%dma_start3A_28 : memref<128x64xf32, #tpu.memory_space<vmem>>) offsets(%dma_start3A_31 : memref<128xi32, #tpu.memory_space<vmem>>) semaphore(%dma_start3A_36 : memref<!tpu.dma_semaphore, #tpu.memory_space<semaphore_mem>>)
    %dma_start3A_37 = arith.constant 2 : i32
    %dma_start3A_38 = arith.constant 2 : i32
    %dma_start3A_39 = arith.constant 2 : i32
    %dma_start3A_40 = arith.constant 0 : i32
    %dma_start3A_41 = arith.constant 0 : i32
    %dma_start3A_42 = tpu.memref_slice %arg6[%dma_start3A_38, %dma_start3A_40, %dma_start3A_41] : memref<8x128x64xf32, #tpu.memory_space<vmem>> -> memref<1x128x64xf32, #tpu.memory_space<vmem>>
    %dma_start3A_43 = tpu.memref_squeeze %dma_start3A_42 : memref<1x128x64xf32, #tpu.memory_space<vmem>> -> memref<128x64xf32, #tpu.memory_space<vmem>>
    %dma_start3A_44 = arith.constant 0 : i32
    %dma_start3A_45 = tpu.memref_slice %arg5[%dma_start3A_37, %dma_start3A_44] : memref<80x128xi32, #tpu.memory_space<vmem>> -> memref<1x128xi32, #tpu.memory_space<vmem>>
    %dma_start3A_46 = tpu.memref_squeeze %dma_start3A_45 : memref<1x128xi32, #tpu.memory_space<vmem>> -> memref<128xi32, #tpu.memory_space<vmem>>
    %dma_start3A_47 = arith.constant 0 : i32
    %dma_start3A_48 = arith.constant 0 : i32
    %dma_start3A_49 = tpu.memref_slice %arg3[%dma_start3A_47, %dma_start3A_48] : memref<1015808x64xf32, #tpu.memory_space<hbm>> -> memref<1015808x64xf32, #tpu.memory_space<hbm>>
    %dma_start3A_50 = tpu.memref_slice %arg7[%dma_start3A_39] : memref<8x!tpu.dma_semaphore, #tpu.memory_space<semaphore_mem>> -> memref<1x!tpu.dma_semaphore, #tpu.memory_space<semaphore_mem>>
    %dma_start3A_51 = tpu.memref_squeeze %dma_start3A_50 : memref<1x!tpu.dma_semaphore, #tpu.memory_space<semaphore_mem>> -> memref<!tpu.dma_semaphore, #tpu.memory_space<semaphore_mem>>
    tpu.enqueue_indirect_dma source(%dma_start3A_49 : memref<1015808x64xf32, #tpu.memory_space<hbm>>) target(%dma_start3A_43 : memref<128x64xf32, #tpu.memory_space<vmem>>) offsets(%dma_start3A_46 : memref<128xi32, #tpu.memory_space<vmem>>) semaphore(%dma_start3A_51 : memref<!tpu.dma_semaphore, #tpu.memory_space<semaphore_mem>>)
    %dma_start3A_52 = arith.constant 3 : i32
    %dma_start3A_53 = arith.constant 3 : i32
    %dma_start3A_54 = arith.constant 3 : i32
    %dma_start3A_55 = arith.constant 0 : i32
    %dma_start3A_56 = arith.constant 0 : i32
    %dma_start3A_57 = tpu.memref_slice %arg6[%dma_start3A_53, %dma_start3A_55, %dma_start3A_56] : memref<8x128x64xf32, #tpu.memory_space<vmem>> -> memref<1x128x64xf32, #tpu.memory_space<vmem>>
    %dma_start3A_58 = tpu.memref_squeeze %dma_start3A_57 : memref<1x128x64xf32, #tpu.memory_space<vmem>> -> memref<128x64xf32, #tpu.memory_space<vmem>>
    %dma_start3A_59 = arith.constant 0 : i32
    %dma_start3A_60 = tpu.memref_slice %arg5[%dma_start3A_52, %dma_start3A_59] : memref<80x128xi32, #tpu.memory_space<vmem>> -> memref<1x128xi32, #tpu.memory_space<vmem>>
    %dma_start3A_61 = tpu.memref_squeeze %dma_start3A_60 : memref<1x128xi32, #tpu.memory_space<vmem>> -> memref<128xi32, #tpu.memory_space<vmem>>
    %dma_start3A_62 = arith.constant 0 : i32
    %dma_start3A_63 = arith.constant 0 : i32
    %dma_start3A_64 = tpu.memref_slice %arg3[%dma_start3A_62, %dma_start3A_63] : memref<1015808x64xf32, #tpu.memory_space<hbm>> -> memref<1015808x64xf32, #tpu.memory_space<hbm>>
    %dma_start3A_65 = tpu.memref_slice %arg7[%dma_start3A_54] : memref<8x!tpu.dma_semaphore, #tpu.memory_space<semaphore_mem>> -> memref<1x!tpu.dma_semaphore, #tpu.memory_space<semaphore_mem>>
    %dma_start3A_66 = tpu.memref_squeeze %dma_start3A_65 : memref<1x!tpu.dma_semaphore, #tpu.memory_space<semaphore_mem>> -> memref<!tpu.dma_semaphore, #tpu.memory_space<semaphore_mem>>
    tpu.enqueue_indirect_dma source(%dma_start3A_64 : memref<1015808x64xf32, #tpu.memory_space<hbm>>) target(%dma_start3A_58 : memref<128x64xf32, #tpu.memory_space<vmem>>) offsets(%dma_start3A_61 : memref<128xi32, #tpu.memory_space<vmem>>) semaphore(%dma_start3A_66 : memref<!tpu.dma_semaphore, #tpu.memory_space<semaphore_mem>>)
    %dma_start3A_67 = arith.constant 4 : i32
    %dma_start3A_68 = arith.constant 4 : i32
    %dma_start3A_69 = arith.constant 4 : i32
    %dma_start3A_70 = arith.constant 0 : i32
    %dma_start3A_71 = arith.constant 0 : i32
    %dma_start3A_72 = tpu.memref_slice %arg6[%dma_start3A_68, %dma_start3A_70, %dma_start3A_71] : memref<8x128x64xf32, #tpu.memory_space<vmem>> -> memref<1x128x64xf32, #tpu.memory_space<vmem>>
    %dma_start3A_73 = tpu.memref_squeeze %dma_start3A_72 : memref<1x128x64xf32, #tpu.memory_space<vmem>> -> memref<128x64xf32, #tpu.memory_space<vmem>>
    %dma_start3A_74 = arith.constant 0 : i32
    %dma_start3A_75 = tpu.memref_slice %arg5[%dma_start3A_67, %dma_start3A_74] : memref<80x128xi32, #tpu.memory_space<vmem>> -> memref<1x128xi32, #tpu.memory_space<vmem>>
    %dma_start3A_76 = tpu.memref_squeeze %dma_start3A_75 : memref<1x128xi32, #tpu.memory_space<vmem>> -> memref<128xi32, #tpu.memory_space<vmem>>
    %dma_start3A_77 = arith.constant 0 : i32
    %dma_start3A_78 = arith.constant 0 : i32
    %dma_start3A_79 = tpu.memref_slice %arg3[%dma_start3A_77, %dma_start3A_78] : memref<1015808x64xf32, #tpu.memory_space<hbm>> -> memref<1015808x64xf32, #tpu.memory_space<hbm>>
    %dma_start3A_80 = tpu.memref_slice %arg7[%dma_start3A_69] : memref<8x!tpu.dma_semaphore, #tpu.memory_space<semaphore_mem>> -> memref<1x!tpu.dma_semaphore, #tpu.memory_space<semaphore_mem>>
    %dma_start3A_81 = tpu.memref_squeeze %dma_start3A_80 : memref<1x!tpu.dma_semaphore, #tpu.memory_space<semaphore_mem>> -> memref<!tpu.dma_semaphore, #tpu.memory_space<semaphore_mem>>
    tpu.enqueue_indirect_dma source(%dma_start3A_79 : memref<1015808x64xf32, #tpu.memory_space<hbm>>) target(%dma_start3A_73 : memref<128x64xf32, #tpu.memory_space<vmem>>) offsets(%dma_start3A_76 : memref<128xi32, #tpu.memory_space<vmem>>) semaphore(%dma_start3A_81 : memref<!tpu.dma_semaphore, #tpu.memory_space<semaphore_mem>>)
    %dma_start3A_82 = arith.constant 5 : i32
    %dma_start3A_83 = arith.constant 5 : i32
    %dma_start3A_84 = arith.constant 5 : i32
    %dma_start3A_85 = arith.constant 0 : i32
    %dma_start3A_86 = arith.constant 0 : i32
    %dma_start3A_87 = tpu.memref_slice %arg6[%dma_start3A_83, %dma_start3A_85, %dma_start3A_86] : memref<8x128x64xf32, #tpu.memory_space<vmem>> -> memref<1x128x64xf32, #tpu.memory_space<vmem>>
    %dma_start3A_88 = tpu.memref_squeeze %dma_start3A_87 : memref<1x128x64xf32, #tpu.memory_space<vmem>> -> memref<128x64xf32, #tpu.memory_space<vmem>>
    %dma_start3A_89 = arith.constant 0 : i32
    %dma_start3A_90 = tpu.memref_slice %arg5[%dma_start3A_82, %dma_start3A_89] : memref<80x128xi32, #tpu.memory_space<vmem>> -> memref<1x128xi32, #tpu.memory_space<vmem>>
    %dma_start3A_91 = tpu.memref_squeeze %dma_start3A_90 : memref<1x128xi32, #tpu.memory_space<vmem>> -> memref<128xi32, #tpu.memory_space<vmem>>
    %dma_start3A_92 = arith.constant 0 : i32
    %dma_start3A_93 = arith.constant 0 : i32
    %dma_start3A_94 = tpu.memref_slice %arg3[%dma_start3A_92, %dma_start3A_93] : memref<1015808x64xf32, #tpu.memory_space<hbm>> -> memref<1015808x64xf32, #tpu.memory_space<hbm>>
    %dma_start3A_95 = tpu.memref_slice %arg7[%dma_start3A_84] : memref<8x!tpu.dma_semaphore, #tpu.memory_space<semaphore_mem>> -> memref<1x!tpu.dma_semaphore, #tpu.memory_space<semaphore_mem>>
    %dma_start3A_96 = tpu.memref_squeeze %dma_start3A_95 : memref<1x!tpu.dma_semaphore, #tpu.memory_space<semaphore_mem>> -> memref<!tpu.dma_semaphore, #tpu.memory_space<semaphore_mem>>
    tpu.enqueue_indirect_dma source(%dma_start3A_94 : memref<1015808x64xf32, #tpu.memory_space<hbm>>) target(%dma_start3A_88 : memref<128x64xf32, #tpu.memory_space<vmem>>) offsets(%dma_start3A_91 : memref<128xi32, #tpu.memory_space<vmem>>) semaphore(%dma_start3A_96 : memref<!tpu.dma_semaphore, #tpu.memory_space<semaphore_mem>>)
    %dma_start3A_97 = arith.constant 6 : i32
    %dma_start3A_98 = arith.constant 6 : i32
    %dma_start3A_99 = arith.constant 6 : i32
    %dma_start3A_100 = arith.constant 0 : i32
    %dma_start3A_101 = arith.constant 0 : i32
    %dma_start3A_102 = tpu.memref_slice %arg6[%dma_start3A_98, %dma_start3A_100, %dma_start3A_101] : memref<8x128x64xf32, #tpu.memory_space<vmem>> -> memref<1x128x64xf32, #tpu.memory_space<vmem>>
    %dma_start3A_103 = tpu.memref_squeeze %dma_start3A_102 : memref<1x128x64xf32, #tpu.memory_space<vmem>> -> memref<128x64xf32, #tpu.memory_space<vmem>>
    %dma_start3A_104 = arith.constant 0 : i32
    %dma_start3A_105 = tpu.memref_slice %arg5[%dma_start3A_97, %dma_start3A_104] : memref<80x128xi32, #tpu.memory_space<vmem>> -> memref<1x128xi32, #tpu.memory_space<vmem>>
    %dma_start3A_106 = tpu.memref_squeeze %dma_start3A_105 : memref<1x128xi32, #tpu.memory_space<vmem>> -> memref<128xi32, #tpu.memory_space<vmem>>
    %dma_start3A_107 = arith.constant 0 : i32
    %dma_start3A_108 = arith.constant 0 : i32
    %dma_start3A_109 = tpu.memref_slice %arg3[%dma_start3A_107, %dma_start3A_108] : memref<1015808x64xf32, #tpu.memory_space<hbm>> -> memref<1015808x64xf32, #tpu.memory_space<hbm>>
    %dma_start3A_110 = tpu.memref_slice %arg7[%dma_start3A_99] : memref<8x!tpu.dma_semaphore, #tpu.memory_space<semaphore_mem>> -> memref<1x!tpu.dma_semaphore, #tpu.memory_space<semaphore_mem>>
    %dma_start3A_111 = tpu.memref_squeeze %dma_start3A_110 : memref<1x!tpu.dma_semaphore, #tpu.memory_space<semaphore_mem>> -> memref<!tpu.dma_semaphore, #tpu.memory_space<semaphore_mem>>
    tpu.enqueue_indirect_dma source(%dma_start3A_109 : memref<1015808x64xf32, #tpu.memory_space<hbm>>) target(%dma_start3A_103 : memref<128x64xf32, #tpu.memory_space<vmem>>) offsets(%dma_start3A_106 : memref<128xi32, #tpu.memory_space<vmem>>) semaphore(%dma_start3A_111 : memref<!tpu.dma_semaphore, #tpu.memory_space<semaphore_mem>>)
    %dma_start3A_112 = arith.constant 7 : i32
    %dma_start3A_113 = arith.constant 7 : i32
    %dma_start3A_114 = arith.constant 7 : i32
    %dma_start3A_115 = arith.constant 0 : i32
    %dma_start3A_116 = arith.constant 0 : i32
    %dma_start3A_117 = tpu.memref_slice %arg6[%dma_start3A_113, %dma_start3A_115, %dma_start3A_116] : memref<8x128x64xf32, #tpu.memory_space<vmem>> -> memref<1x128x64xf32, #tpu.memory_space<vmem>>
    %dma_start3A_118 = tpu.memref_squeeze %dma_start3A_117 : memref<1x128x64xf32, #tpu.memory_space<vmem>> -> memref<128x64xf32, #tpu.memory_space<vmem>>
    %dma_start3A_119 = arith.constant 0 : i32
    %dma_start3A_120 = tpu.memref_slice %arg5[%dma_start3A_112, %dma_start3A_119] : memref<80x128xi32, #tpu.memory_space<vmem>> -> memref<1x128xi32, #tpu.memory_space<vmem>>
    %dma_start3A_121 = tpu.memref_squeeze %dma_start3A_120 : memref<1x128xi32, #tpu.memory_space<vmem>> -> memref<128xi32, #tpu.memory_space<vmem>>
    %dma_start3A_122 = arith.constant 0 : i32
    %dma_start3A_123 = arith.constant 0 : i32
    %dma_start3A_124 = tpu.memref_slice %arg3[%dma_start3A_122, %dma_start3A_123] : memref<1015808x64xf32, #tpu.memory_space<hbm>> -> memref<1015808x64xf32, #tpu.memory_space<hbm>>
    %dma_start3A_125 = tpu.memref_slice %arg7[%dma_start3A_114] : memref<8x!tpu.dma_semaphore, #tpu.memory_space<semaphore_mem>> -> memref<1x!tpu.dma_semaphore, #tpu.memory_space<semaphore_mem>>
    %dma_start3A_126 = tpu.memref_squeeze %dma_start3A_125 : memref<1x!tpu.dma_semaphore, #tpu.memory_space<semaphore_mem>> -> memref<!tpu.dma_semaphore, #tpu.memory_space<semaphore_mem>>
    tpu.enqueue_indirect_dma source(%dma_start3A_124 : memref<1015808x64xf32, #tpu.memory_space<hbm>>) target(%dma_start3A_118 : memref<128x64xf32, #tpu.memory_space<vmem>>) offsets(%dma_start3A_121 : memref<128xi32, #tpu.memory_space<vmem>>) semaphore(%dma_start3A_126 : memref<!tpu.dma_semaphore, #tpu.memory_space<semaphore_mem>>)
    %scan3A_127 = arith.constant 0 : i32
    %scan3A_128 = arith.constant 0 : i32
    %scan3A_129 = arith.constant 9 : i32
    %scan3A_130 = arith.addi %scan3A_128, %scan3A_129 : i32
    %scan3A_131 = arith.constant 1 : i32
    scf.for %scan3A_275 = %scan3A_128 to %scan3A_130 step %scan3A_131  : i32 {
      %mul3A_276 = arith.constant 8 : i32
      %mul3A_277 = arith.muli %scan3A_275, %mul3A_276 : i32
      %add3A_278 = arith.constant 0 : i32
      %add3A_279 = arith.addi %mul3A_277, %add3A_278 : i32
      %dma_wait3A_280 = arith.constant 0 : i32
      %dma_wait3A_281 = arith.constant 0 : i32
      %dma_wait3A_282 = arith.constant 0 : i32
      %dma_wait3A_283 = arith.constant 0 : i32
      %dma_wait3A_284 = tpu.memref_slice %arg6[%dma_wait3A_280, %dma_wait3A_282, %dma_wait3A_283] : memref<8x128x64xf32, #tpu.memory_space<vmem>> -> memref<1x128x64xf32, #tpu.memory_space<vmem>>
      %dma_wait3A_285 = tpu.memref_squeeze %dma_wait3A_284 : memref<1x128x64xf32, #tpu.memory_space<vmem>> -> memref<128x64xf32, #tpu.memory_space<vmem>>
      %dma_wait3A_286 = arith.constant 0 : i32
      %dma_wait3A_287 = tpu.memref_slice %arg5[%add3A_279, %dma_wait3A_286] : memref<80x128xi32, #tpu.memory_space<vmem>> -> memref<1x128xi32, #tpu.memory_space<vmem>>
      %dma_wait3A_288 = tpu.memref_squeeze %dma_wait3A_287 : memref<1x128xi32, #tpu.memory_space<vmem>> -> memref<128xi32, #tpu.memory_space<vmem>>
      %dma_wait3A_289 = arith.constant 0 : i32
      %dma_wait3A_290 = arith.constant 0 : i32
      %dma_wait3A_291 = tpu.memref_slice %arg3[%dma_wait3A_289, %dma_wait3A_290] : memref<1015808x64xf32, #tpu.memory_space<hbm>> -> memref<1015808x64xf32, #tpu.memory_space<hbm>>
      %dma_wait3A_292 = tpu.memref_slice %arg7[%dma_wait3A_281] : memref<8x!tpu.dma_semaphore, #tpu.memory_space<semaphore_mem>> -> memref<1x!tpu.dma_semaphore, #tpu.memory_space<semaphore_mem>>
      %dma_wait3A_293 = tpu.memref_squeeze %dma_wait3A_292 : memref<1x!tpu.dma_semaphore, #tpu.memory_space<semaphore_mem>> -> memref<!tpu.dma_semaphore, #tpu.memory_space<semaphore_mem>>
      tpu.wait_indirect_dma semaphore(%dma_wait3A_293 : memref<!tpu.dma_semaphore, #tpu.memory_space<semaphore_mem>>) src(%dma_wait3A_291 : memref<1015808x64xf32, #tpu.memory_space<hbm>>) dst(%dma_wait3A_285 : memref<128x64xf32, #tpu.memory_space<vmem>>)
      %mul3A_294 = arith.constant 128 : i32
      %mul3A_295 = arith.muli %add3A_279, %mul3A_294 : i32
      %add3A_296 = arith.addi %mul3A_2, %mul3A_295 : i32
      %run_scoped3A_297 = arith.constant 0 : i32
      "tpu.region"() ({
        %run_scoped3A_580 = tpu.sem_alloc : memref<!tpu.dma_semaphore, #tpu.memory_space<semaphore_mem>>
        %dma_start3A_581 = arith.constant 0 : i32
        %dma_start3A_582 = arith.constant 0 : i32
        %dma_start3A_583 = tpu.memref_slice %arg6[%run_scoped3A_297, %dma_start3A_581, %dma_start3A_582] : memref<8x128x64xf32, #tpu.memory_space<vmem>> -> memref<1x128x64xf32, #tpu.memory_space<vmem>>
        %dma_start3A_584 = tpu.memref_squeeze %dma_start3A_583 : memref<1x128x64xf32, #tpu.memory_space<vmem>> -> memref<128x64xf32, #tpu.memory_space<vmem>>
        %dma_start3A_585 = arith.constant 0 : i32
        %dma_start3A_586 = tpu.memref_slice %arg4[%add3A_296, %dma_start3A_585] : memref<327680x64xf32, #tpu.memory_space<hbm>> -> memref<128x64xf32, #tpu.memory_space<hbm>>
        %dma_start3A_587 = arith.constant 0 : i32
        %dma_start3A_588 = tpu.memref_slice %arg4[%add3A_296, %dma_start3A_587] : memref<327680x64xf32, #tpu.memory_space<hbm>> -> memref<128x64xf32, #tpu.memory_space<hbm>>
        %dma_start3A_589 = arith.constant 0 : i32
        %dma_start3A_590 = arith.constant 0 : i32
        %dma_start3A_591 = tpu.memref_slice %arg6[%run_scoped3A_297, %dma_start3A_589, %dma_start3A_590] : memref<8x128x64xf32, #tpu.memory_space<vmem>> -> memref<1x128x64xf32, #tpu.memory_space<vmem>>
        %dma_start3A_592 = tpu.memref_squeeze %dma_start3A_591 : memref<1x128x64xf32, #tpu.memory_space<vmem>> -> memref<128x64xf32, #tpu.memory_space<vmem>>
        tpu.enqueue_dma source(%dma_start3A_592 : memref<128x64xf32, #tpu.memory_space<vmem>>) target(%dma_start3A_588 : memref<128x64xf32, #tpu.memory_space<hbm>>) target_semaphore(%run_scoped3A_580 : memref<!tpu.dma_semaphore, #tpu.memory_space<semaphore_mem>>)
        %dma_wait3A_593 = arith.constant 0 : i32
        %dma_wait3A_594 = arith.constant 0 : i32
        %dma_wait3A_595 = tpu.memref_slice %arg6[%run_scoped3A_297, %dma_wait3A_593, %dma_wait3A_594] : memref<8x128x64xf32, #tpu.memory_space<vmem>> -> memref<1x128x64xf32, #tpu.memory_space<vmem>>
        %dma_wait3A_596 = tpu.memref_squeeze %dma_wait3A_595 : memref<1x128x64xf32, #tpu.memory_space<vmem>> -> memref<128x64xf32, #tpu.memory_space<vmem>>
        %dma_wait3A_597 = arith.constant 0 : i32
        %dma_wait3A_598 = tpu.memref_slice %arg4[%add3A_296, %dma_wait3A_597] : memref<327680x64xf32, #tpu.memory_space<hbm>> -> memref<128x64xf32, #tpu.memory_space<hbm>>
        %dma_wait3A_599 = arith.constant 0 : i32
        %dma_wait3A_600 = tpu.memref_slice %arg4[%add3A_296, %dma_wait3A_599] : memref<327680x64xf32, #tpu.memory_space<hbm>> -> memref<128x64xf32, #tpu.memory_space<hbm>>
        %dma_wait3A_601 = arith.constant 0 : i32
        %dma_wait3A_602 = arith.constant 0 : i32
        %dma_wait3A_603 = tpu.memref_slice %arg6[%run_scoped3A_297, %dma_wait3A_601, %dma_wait3A_602] : memref<8x128x64xf32, #tpu.memory_space<vmem>> -> memref<1x128x64xf32, #tpu.memory_space<vmem>>
        %dma_wait3A_604 = tpu.memref_squeeze %dma_wait3A_603 : memref<1x128x64xf32, #tpu.memory_space<vmem>> -> memref<128x64xf32, #tpu.memory_space<vmem>>
        tpu.wait_dma2 semaphore(%run_scoped3A_580 : memref<!tpu.dma_semaphore, #tpu.memory_space<semaphore_mem>>) src(%dma_wait3A_604 : memref<128x64xf32, #tpu.memory_space<vmem>>) dst(%dma_wait3A_600 : memref<128x64xf32, #tpu.memory_space<hbm>>)
        tpu.yield
      }) : () -> ()
      %add3A_298 = arith.constant 8 : i32
      %add3A_299 = arith.addi %add3A_279, %add3A_298 : i32
      %dma_start3A_300 = arith.constant 0 : i32
      %dma_start3A_301 = arith.constant 0 : i32
      %dma_start3A_302 = arith.constant 0 : i32
      %dma_start3A_303 = arith.constant 0 : i32
      %dma_start3A_304 = tpu.memref_slice %arg6[%dma_start3A_300, %dma_start3A_302, %dma_start3A_303] : memref<8x128x64xf32, #tpu.memory_space<vmem>> -> memref<1x128x64xf32, #tpu.memory_space<vmem>>
      %dma_start3A_305 = tpu.memref_squeeze %dma_start3A_304 : memref<1x128x64xf32, #tpu.memory_space<vmem>> -> memref<128x64xf32, #tpu.memory_space<vmem>>
      %dma_start3A_306 = arith.constant 0 : i32
      %dma_start3A_307 = tpu.memref_slice %arg5[%add3A_299, %dma_start3A_306] : memref<80x128xi32, #tpu.memory_space<vmem>> -> memref<1x128xi32, #tpu.memory_space<vmem>>
      %dma_start3A_308 = tpu.memref_squeeze %dma_start3A_307 : memref<1x128xi32, #tpu.memory_space<vmem>> -> memref<128xi32, #tpu.memory_space<vmem>>
      %dma_start3A_309 = arith.constant 0 : i32
      %dma_start3A_310 = arith.constant 0 : i32
      %dma_start3A_311 = tpu.memref_slice %arg3[%dma_start3A_309, %dma_start3A_310] : memref<1015808x64xf32, #tpu.memory_space<hbm>> -> memref<1015808x64xf32, #tpu.memory_space<hbm>>
      %dma_start3A_312 = tpu.memref_slice %arg7[%dma_start3A_301] : memref<8x!tpu.dma_semaphore, #tpu.memory_space<semaphore_mem>> -> memref<1x!tpu.dma_semaphore, #tpu.memory_space<semaphore_mem>>
      %dma_start3A_313 = tpu.memref_squeeze %dma_start3A_312 : memref<1x!tpu.dma_semaphore, #tpu.memory_space<semaphore_mem>> -> memref<!tpu.dma_semaphore, #tpu.memory_space<semaphore_mem>>
      tpu.enqueue_indirect_dma source(%dma_start3A_311 : memref<1015808x64xf32, #tpu.memory_space<hbm>>) target(%dma_start3A_305 : memref<128x64xf32, #tpu.memory_space<vmem>>) offsets(%dma_start3A_308 : memref<128xi32, #tpu.memory_space<vmem>>) semaphore(%dma_start3A_313 : memref<!tpu.dma_semaphore, #tpu.memory_space<semaphore_mem>>)
      %mul3A_314 = arith.constant 8 : i32
      %mul3A_315 = arith.muli %scan3A_275, %mul3A_314 : i32
      %add3A_316 = arith.constant 1 : i32
      %add3A_317 = arith.addi %mul3A_315, %add3A_316 : i32
      %dma_wait3A_318 = arith.constant 1 : i32
      %dma_wait3A_319 = arith.constant 1 : i32
      %dma_wait3A_320 = arith.constant 0 : i32
      %dma_wait3A_321 = arith.constant 0 : i32
      %dma_wait3A_322 = tpu.memref_slice %arg6[%dma_wait3A_318, %dma_wait3A_320, %dma_wait3A_321] : memref<8x128x64xf32, #tpu.memory_space<vmem>> -> memref<1x128x64xf32, #tpu.memory_space<vmem>>
      %dma_wait3A_323 = tpu.memref_squeeze %dma_wait3A_322 : memref<1x128x64xf32, #tpu.memory_space<vmem>> -> memref<128x64xf32, #tpu.memory_space<vmem>>
      %dma_wait3A_324 = arith.constant 0 : i32
      %dma_wait3A_325 = tpu.memref_slice %arg5[%add3A_317, %dma_wait3A_324] : memref<80x128xi32, #tpu.memory_space<vmem>> -> memref<1x128xi32, #tpu.memory_space<vmem>>
      %dma_wait3A_326 = tpu.memref_squeeze %dma_wait3A_325 : memref<1x128xi32, #tpu.memory_space<vmem>> -> memref<128xi32, #tpu.memory_space<vmem>>
      %dma_wait3A_327 = arith.constant 0 : i32
      %dma_wait3A_328 = arith.constant 0 : i32
      %dma_wait3A_329 = tpu.memref_slice %arg3[%dma_wait3A_327, %dma_wait3A_328] : memref<1015808x64xf32, #tpu.memory_space<hbm>> -> memref<1015808x64xf32, #tpu.memory_space<hbm>>
      %dma_wait3A_330 = tpu.memref_slice %arg7[%dma_wait3A_319] : memref<8x!tpu.dma_semaphore, #tpu.memory_space<semaphore_mem>> -> memref<1x!tpu.dma_semaphore, #tpu.memory_space<semaphore_mem>>
      %dma_wait3A_331 = tpu.memref_squeeze %dma_wait3A_330 : memref<1x!tpu.dma_semaphore, #tpu.memory_space<semaphore_mem>> -> memref<!tpu.dma_semaphore, #tpu.memory_space<semaphore_mem>>
      tpu.wait_indirect_dma semaphore(%dma_wait3A_331 : memref<!tpu.dma_semaphore, #tpu.memory_space<semaphore_mem>>) src(%dma_wait3A_329 : memref<1015808x64xf32, #tpu.memory_space<hbm>>) dst(%dma_wait3A_323 : memref<128x64xf32, #tpu.memory_space<vmem>>)
      %mul3A_332 = arith.constant 128 : i32
      %mul3A_333 = arith.muli %add3A_317, %mul3A_332 : i32
      %add3A_334 = arith.addi %mul3A_2, %mul3A_333 : i32
      %run_scoped3A_335 = arith.constant 1 : i32
      "tpu.region"() ({
        %run_scoped3A_580 = tpu.sem_alloc : memref<!tpu.dma_semaphore, #tpu.memory_space<semaphore_mem>>
        %dma_start3A_581 = arith.constant 0 : i32
        %dma_start3A_582 = arith.constant 0 : i32
        %dma_start3A_583 = tpu.memref_slice %arg6[%run_scoped3A_335, %dma_start3A_581, %dma_start3A_582] : memref<8x128x64xf32, #tpu.memory_space<vmem>> -> memref<1x128x64xf32, #tpu.memory_space<vmem>>
        %dma_start3A_584 = tpu.memref_squeeze %dma_start3A_583 : memref<1x128x64xf32, #tpu.memory_space<vmem>> -> memref<128x64xf32, #tpu.memory_space<vmem>>
        %dma_start3A_585 = arith.constant 0 : i32
        %dma_start3A_586 = tpu.memref_slice %arg4[%add3A_334, %dma_start3A_585] : memref<327680x64xf32, #tpu.memory_space<hbm>> -> memref<128x64xf32, #tpu.memory_space<hbm>>
        %dma_start3A_587 = arith.constant 0 : i32
        %dma_start3A_588 = tpu.memref_slice %arg4[%add3A_334, %dma_start3A_587] : memref<327680x64xf32, #tpu.memory_space<hbm>> -> memref<128x64xf32, #tpu.memory_space<hbm>>
        %dma_start3A_589 = arith.constant 0 : i32
        %dma_start3A_590 = arith.constant 0 : i32
        %dma_start3A_591 = tpu.memref_slice %arg6[%run_scoped3A_335, %dma_start3A_589, %dma_start3A_590] : memref<8x128x64xf32, #tpu.memory_space<vmem>> -> memref<1x128x64xf32, #tpu.memory_space<vmem>>
        %dma_start3A_592 = tpu.memref_squeeze %dma_start3A_591 : memref<1x128x64xf32, #tpu.memory_space<vmem>> -> memref<128x64xf32, #tpu.memory_space<vmem>>
        tpu.enqueue_dma source(%dma_start3A_592 : memref<128x64xf32, #tpu.memory_space<vmem>>) target(%dma_start3A_588 : memref<128x64xf32, #tpu.memory_space<hbm>>) target_semaphore(%run_scoped3A_580 : memref<!tpu.dma_semaphore, #tpu.memory_space<semaphore_mem>>)
        %dma_wait3A_593 = arith.constant 0 : i32
        %dma_wait3A_594 = arith.constant 0 : i32
        %dma_wait3A_595 = tpu.memref_slice %arg6[%run_scoped3A_335, %dma_wait3A_593, %dma_wait3A_594] : memref<8x128x64xf32, #tpu.memory_space<vmem>> -> memref<1x128x64xf32, #tpu.memory_space<vmem>>
        %dma_wait3A_596 = tpu.memref_squeeze %dma_wait3A_595 : memref<1x128x64xf32, #tpu.memory_space<vmem>> -> memref<128x64xf32, #tpu.memory_space<vmem>>
        %dma_wait3A_597 = arith.constant 0 : i32
        %dma_wait3A_598 = tpu.memref_slice %arg4[%add3A_334, %dma_wait3A_597] : memref<327680x64xf32, #tpu.memory_space<hbm>> -> memref<128x64xf32, #tpu.memory_space<hbm>>
        %dma_wait3A_599 = arith.constant 0 : i32
        %dma_wait3A_600 = tpu.memref_slice %arg4[%add3A_334, %dma_wait3A_599] : memref<327680x64xf32, #tpu.memory_space<hbm>> -> memref<128x64xf32, #tpu.memory_space<hbm>>
        %dma_wait3A_601 = arith.constant 0 : i32
        %dma_wait3A_602 = arith.constant 0 : i32
        %dma_wait3A_603 = tpu.memref_slice %arg6[%run_scoped3A_335, %dma_wait3A_601, %dma_wait3A_602] : memref<8x128x64xf32, #tpu.memory_space<vmem>> -> memref<1x128x64xf32, #tpu.memory_space<vmem>>
        %dma_wait3A_604 = tpu.memref_squeeze %dma_wait3A_603 : memref<1x128x64xf32, #tpu.memory_space<vmem>> -> memref<128x64xf32, #tpu.memory_space<vmem>>
        tpu.wait_dma2 semaphore(%run_scoped3A_580 : memref<!tpu.dma_semaphore, #tpu.memory_space<semaphore_mem>>) src(%dma_wait3A_604 : memref<128x64xf32, #tpu.memory_space<vmem>>) dst(%dma_wait3A_600 : memref<128x64xf32, #tpu.memory_space<hbm>>)
        tpu.yield
      }) : () -> ()
      %add3A_336 = arith.constant 8 : i32
      %add3A_337 = arith.addi %add3A_317, %add3A_336 : i32
      %dma_start3A_338 = arith.constant 1 : i32
      %dma_start3A_339 = arith.constant 1 : i32
      %dma_start3A_340 = arith.constant 0 : i32
      %dma_start3A_341 = arith.constant 0 : i32
      %dma_start3A_342 = tpu.memref_slice %arg6[%dma_start3A_338, %dma_start3A_340, %dma_start3A_341] : memref<8x128x64xf32, #tpu.memory_space<vmem>> -> memref<1x128x64xf32, #tpu.memory_space<vmem>>
      %dma_start3A_343 = tpu.memref_squeeze %dma_start3A_342 : memref<1x128x64xf32, #tpu.memory_space<vmem>> -> memref<128x64xf32, #tpu.memory_space<vmem>>
      %dma_start3A_344 = arith.constant 0 : i32
      %dma_start3A_345 = tpu.memref_slice %arg5[%add3A_337, %dma_start3A_344] : memref<80x128xi32, #tpu.memory_space<vmem>> -> memref<1x128xi32, #tpu.memory_space<vmem>>
      %dma_start3A_346 = tpu.memref_squeeze %dma_start3A_345 : memref<1x128xi32, #tpu.memory_space<vmem>> -> memref<128xi32, #tpu.memory_space<vmem>>
      %dma_start3A_347 = arith.constant 0 : i32
      %dma_start3A_348 = arith.constant 0 : i32
      %dma_start3A_349 = tpu.memref_slice %arg3[%dma_start3A_347, %dma_start3A_348] : memref<1015808x64xf32, #tpu.memory_space<hbm>> -> memref<1015808x64xf32, #tpu.memory_space<hbm>>
      %dma_start3A_350 = tpu.memref_slice %arg7[%dma_start3A_339] : memref<8x!tpu.dma_semaphore, #tpu.memory_space<semaphore_mem>> -> memref<1x!tpu.dma_semaphore, #tpu.memory_space<semaphore_mem>>
      %dma_start3A_351 = tpu.memref_squeeze %dma_start3A_350 : memref<1x!tpu.dma_semaphore, #tpu.memory_space<semaphore_mem>> -> memref<!tpu.dma_semaphore, #tpu.memory_space<semaphore_mem>>
      tpu.enqueue_indirect_dma source(%dma_start3A_349 : memref<1015808x64xf32, #tpu.memory_space<hbm>>) target(%dma_start3A_343 : memref<128x64xf32, #tpu.memory_space<vmem>>) offsets(%dma_start3A_346 : memref<128xi32, #tpu.memory_space<vmem>>) semaphore(%dma_start3A_351 : memref<!tpu.dma_semaphore, #tpu.memory_space<semaphore_mem>>)
      %mul3A_352 = arith.constant 8 : i32
      %mul3A_353 = arith.muli %scan3A_275, %mul3A_352 : i32
      %add3A_354 = arith.constant 2 : i32
      %add3A_355 = arith.addi %mul3A_353, %add3A_354 : i32
      %dma_wait3A_356 = arith.constant 2 : i32
      %dma_wait3A_357 = arith.constant 2 : i32
      %dma_wait3A_358 = arith.constant 0 : i32
      %dma_wait3A_359 = arith.constant 0 : i32
      %dma_wait3A_360 = tpu.memref_slice %arg6[%dma_wait3A_356, %dma_wait3A_358, %dma_wait3A_359] : memref<8x128x64xf32, #tpu.memory_space<vmem>> -> memref<1x128x64xf32, #tpu.memory_space<vmem>>
      %dma_wait3A_361 = tpu.memref_squeeze %dma_wait3A_360 : memref<1x128x64xf32, #tpu.memory_space<vmem>> -> memref<128x64xf32, #tpu.memory_space<vmem>>
      %dma_wait3A_362 = arith.constant 0 : i32
      %dma_wait3A_363 = tpu.memref_slice %arg5[%add3A_355, %dma_wait3A_362] : memref<80x128xi32, #tpu.memory_space<vmem>> -> memref<1x128xi32, #tpu.memory_space<vmem>>
      %dma_wait3A_364 = tpu.memref_squeeze %dma_wait3A_363 : memref<1x128xi32, #tpu.memory_space<vmem>> -> memref<128xi32, #tpu.memory_space<vmem>>
      %dma_wait3A_365 = arith.constant 0 : i32
      %dma_wait3A_366 = arith.constant 0 : i32
      %dma_wait3A_367 = tpu.memref_slice %arg3[%dma_wait3A_365, %dma_wait3A_366] : memref<1015808x64xf32, #tpu.memory_space<hbm>> -> memref<1015808x64xf32, #tpu.memory_space<hbm>>
      %dma_wait3A_368 = tpu.memref_slice %arg7[%dma_wait3A_357] : memref<8x!tpu.dma_semaphore, #tpu.memory_space<semaphore_mem>> -> memref<1x!tpu.dma_semaphore, #tpu.memory_space<semaphore_mem>>
      %dma_wait3A_369 = tpu.memref_squeeze %dma_wait3A_368 : memref<1x!tpu.dma_semaphore, #tpu.memory_space<semaphore_mem>> -> memref<!tpu.dma_semaphore, #tpu.memory_space<semaphore_mem>>
      tpu.wait_indirect_dma semaphore(%dma_wait3A_369 : memref<!tpu.dma_semaphore, #tpu.memory_space<semaphore_mem>>) src(%dma_wait3A_367 : memref<1015808x64xf32, #tpu.memory_space<hbm>>) dst(%dma_wait3A_361 : memref<128x64xf32, #tpu.memory_space<vmem>>)
      %mul3A_370 = arith.constant 128 : i32
      %mul3A_371 = arith.muli %add3A_355, %mul3A_370 : i32
      %add3A_372 = arith.addi %mul3A_2, %mul3A_371 : i32
      %run_scoped3A_373 = arith.constant 2 : i32
      "tpu.region"() ({
        %run_scoped3A_580 = tpu.sem_alloc : memref<!tpu.dma_semaphore, #tpu.memory_space<semaphore_mem>>
        %dma_start3A_581 = arith.constant 0 : i32
        %dma_start3A_582 = arith.constant 0 : i32
        %dma_start3A_583 = tpu.memref_slice %arg6[%run_scoped3A_373, %dma_start3A_581, %dma_start3A_582] : memref<8x128x64xf32, #tpu.memory_space<vmem>> -> memref<1x128x64xf32, #tpu.memory_space<vmem>>
        %dma_start3A_584 = tpu.memref_squeeze %dma_start3A_583 : memref<1x128x64xf32, #tpu.memory_space<vmem>> -> memref<128x64xf32, #tpu.memory_space<vmem>>
        %dma_start3A_585 = arith.constant 0 : i32
        %dma_start3A_586 = tpu.memref_slice %arg4[%add3A_372, %dma_start3A_585] : memref<327680x64xf32, #tpu.memory_space<hbm>> -> memref<128x64xf32, #tpu.memory_space<hbm>>
        %dma_start3A_587 = arith.constant 0 : i32
        %dma_start3A_588 = tpu.memref_slice %arg4[%add3A_372, %dma_start3A_587] : memref<327680x64xf32, #tpu.memory_space<hbm>> -> memref<128x64xf32, #tpu.memory_space<hbm>>
        %dma_start3A_589 = arith.constant 0 : i32
        %dma_start3A_590 = arith.constant 0 : i32
        %dma_start3A_591 = tpu.memref_slice %arg6[%run_scoped3A_373, %dma_start3A_589, %dma_start3A_590] : memref<8x128x64xf32, #tpu.memory_space<vmem>> -> memref<1x128x64xf32, #tpu.memory_space<vmem>>
        %dma_start3A_592 = tpu.memref_squeeze %dma_start3A_591 : memref<1x128x64xf32, #tpu.memory_space<vmem>> -> memref<128x64xf32, #tpu.memory_space<vmem>>
        tpu.enqueue_dma source(%dma_start3A_592 : memref<128x64xf32, #tpu.memory_space<vmem>>) target(%dma_start3A_588 : memref<128x64xf32, #tpu.memory_space<hbm>>) target_semaphore(%run_scoped3A_580 : memref<!tpu.dma_semaphore, #tpu.memory_space<semaphore_mem>>)
        %dma_wait3A_593 = arith.constant 0 : i32
        %dma_wait3A_594 = arith.constant 0 : i32
        %dma_wait3A_595 = tpu.memref_slice %arg6[%run_scoped3A_373, %dma_wait3A_593, %dma_wait3A_594] : memref<8x128x64xf32, #tpu.memory_space<vmem>> -> memref<1x128x64xf32, #tpu.memory_space<vmem>>
        %dma_wait3A_596 = tpu.memref_squeeze %dma_wait3A_595 : memref<1x128x64xf32, #tpu.memory_space<vmem>> -> memref<128x64xf32, #tpu.memory_space<vmem>>
        %dma_wait3A_597 = arith.constant 0 : i32
        %dma_wait3A_598 = tpu.memref_slice %arg4[%add3A_372, %dma_wait3A_597] : memref<327680x64xf32, #tpu.memory_space<hbm>> -> memref<128x64xf32, #tpu.memory_space<hbm>>
        %dma_wait3A_599 = arith.constant 0 : i32
        %dma_wait3A_600 = tpu.memref_slice %arg4[%add3A_372, %dma_wait3A_599] : memref<327680x64xf32, #tpu.memory_space<hbm>> -> memref<128x64xf32, #tpu.memory_space<hbm>>
        %dma_wait3A_601 = arith.constant 0 : i32
        %dma_wait3A_602 = arith.constant 0 : i32
        %dma_wait3A_603 = tpu.memref_slice %arg6[%run_scoped3A_373, %dma_wait3A_601, %dma_wait3A_602] : memref<8x128x64xf32, #tpu.memory_space<vmem>> -> memref<1x128x64xf32, #tpu.memory_space<vmem>>
        %dma_wait3A_604 = tpu.memref_squeeze %dma_wait3A_603 : memref<1x128x64xf32, #tpu.memory_space<vmem>> -> memref<128x64xf32, #tpu.memory_space<vmem>>
        tpu.wait_dma2 semaphore(%run_scoped3A_580 : memref<!tpu.dma_semaphore, #tpu.memory_space<semaphore_mem>>) src(%dma_wait3A_604 : memref<128x64xf32, #tpu.memory_space<vmem>>) dst(%dma_wait3A_600 : memref<128x64xf32, #tpu.memory_space<hbm>>)
        tpu.yield
      }) : () -> ()
      %add3A_374 = arith.constant 8 : i32
      %add3A_375 = arith.addi %add3A_355, %add3A_374 : i32
      %dma_start3A_376 = arith.constant 2 : i32
      %dma_start3A_377 = arith.constant 2 : i32
      %dma_start3A_378 = arith.constant 0 : i32
      %dma_start3A_379 = arith.constant 0 : i32
      %dma_start3A_380 = tpu.memref_slice %arg6[%dma_start3A_376, %dma_start3A_378, %dma_start3A_379] : memref<8x128x64xf32, #tpu.memory_space<vmem>> -> memref<1x128x64xf32, #tpu.memory_space<vmem>>
      %dma_start3A_381 = tpu.memref_squeeze %dma_start3A_380 : memref<1x128x64xf32, #tpu.memory_space<vmem>> -> memref<128x64xf32, #tpu.memory_space<vmem>>
      %dma_start3A_382 = arith.constant 0 : i32
      %dma_start3A_383 = tpu.memref_slice %arg5[%add3A_375, %dma_start3A_382] : memref<80x128xi32, #tpu.memory_space<vmem>> -> memref<1x128xi32, #tpu.memory_space<vmem>>
      %dma_start3A_384 = tpu.memref_squeeze %dma_start3A_383 : memref<1x128xi32, #tpu.memory_space<vmem>> -> memref<128xi32, #tpu.memory_space<vmem>>
      %dma_start3A_385 = arith.constant 0 : i32
      %dma_start3A_386 = arith.constant 0 : i32
      %dma_start3A_387 = tpu.memref_slice %arg3[%dma_start3A_385, %dma_start3A_386] : memref<1015808x64xf32, #tpu.memory_space<hbm>> -> memref<1015808x64xf32, #tpu.memory_space<hbm>>
      %dma_start3A_388 = tpu.memref_slice %arg7[%dma_start3A_377] : memref<8x!tpu.dma_semaphore, #tpu.memory_space<semaphore_mem>> -> memref<1x!tpu.dma_semaphore, #tpu.memory_space<semaphore_mem>>
      %dma_start3A_389 = tpu.memref_squeeze %dma_start3A_388 : memref<1x!tpu.dma_semaphore, #tpu.memory_space<semaphore_mem>> -> memref<!tpu.dma_semaphore, #tpu.memory_space<semaphore_mem>>
      tpu.enqueue_indirect_dma source(%dma_start3A_387 : memref<1015808x64xf32, #tpu.memory_space<hbm>>) target(%dma_start3A_381 : memref<128x64xf32, #tpu.memory_space<vmem>>) offsets(%dma_start3A_384 : memref<128xi32, #tpu.memory_space<vmem>>) semaphore(%dma_start3A_389 : memref<!tpu.dma_semaphore, #tpu.memory_space<semaphore_mem>>)
      %mul3A_390 = arith.constant 8 : i32
      %mul3A_391 = arith.muli %scan3A_275, %mul3A_390 : i32
      %add3A_392 = arith.constant 3 : i32
      %add3A_393 = arith.addi %mul3A_391, %add3A_392 : i32
      %dma_wait3A_394 = arith.constant 3 : i32
      %dma_wait3A_395 = arith.constant 3 : i32
      %dma_wait3A_396 = arith.constant 0 : i32
      %dma_wait3A_397 = arith.constant 0 : i32
      %dma_wait3A_398 = tpu.memref_slice %arg6[%dma_wait3A_394, %dma_wait3A_396, %dma_wait3A_397] : memref<8x128x64xf32, #tpu.memory_space<vmem>> -> memref<1x128x64xf32, #tpu.memory_space<vmem>>
      %dma_wait3A_399 = tpu.memref_squeeze %dma_wait3A_398 : memref<1x128x64xf32, #tpu.memory_space<vmem>> -> memref<128x64xf32, #tpu.memory_space<vmem>>
      %dma_wait3A_400 = arith.constant 0 : i32
      %dma_wait3A_401 = tpu.memref_slice %arg5[%add3A_393, %dma_wait3A_400] : memref<80x128xi32, #tpu.memory_space<vmem>> -> memref<1x128xi32, #tpu.memory_space<vmem>>
      %dma_wait3A_402 = tpu.memref_squeeze %dma_wait3A_401 : memref<1x128xi32, #tpu.memory_space<vmem>> -> memref<128xi32, #tpu.memory_space<vmem>>
      %dma_wait3A_403 = arith.constant 0 : i32
      %dma_wait3A_404 = arith.constant 0 : i32
      %dma_wait3A_405 = tpu.memref_slice %arg3[%dma_wait3A_403, %dma_wait3A_404] : memref<1015808x64xf32, #tpu.memory_space<hbm>> -> memref<1015808x64xf32, #tpu.memory_space<hbm>>
      %dma_wait3A_406 = tpu.memref_slice %arg7[%dma_wait3A_395] : memref<8x!tpu.dma_semaphore, #tpu.memory_space<semaphore_mem>> -> memref<1x!tpu.dma_semaphore, #tpu.memory_space<semaphore_mem>>
      %dma_wait3A_407 = tpu.memref_squeeze %dma_wait3A_406 : memref<1x!tpu.dma_semaphore, #tpu.memory_space<semaphore_mem>> -> memref<!tpu.dma_semaphore, #tpu.memory_space<semaphore_mem>>
      tpu.wait_indirect_dma semaphore(%dma_wait3A_407 : memref<!tpu.dma_semaphore, #tpu.memory_space<semaphore_mem>>) src(%dma_wait3A_405 : memref<1015808x64xf32, #tpu.memory_space<hbm>>) dst(%dma_wait3A_399 : memref<128x64xf32, #tpu.memory_space<vmem>>)
      %mul3A_408 = arith.constant 128 : i32
      %mul3A_409 = arith.muli %add3A_393, %mul3A_408 : i32
      %add3A_410 = arith.addi %mul3A_2, %mul3A_409 : i32
      %run_scoped3A_411 = arith.constant 3 : i32
      "tpu.region"() ({
        %run_scoped3A_580 = tpu.sem_alloc : memref<!tpu.dma_semaphore, #tpu.memory_space<semaphore_mem>>
        %dma_start3A_581 = arith.constant 0 : i32
        %dma_start3A_582 = arith.constant 0 : i32
        %dma_start3A_583 = tpu.memref_slice %arg6[%run_scoped3A_411, %dma_start3A_581, %dma_start3A_582] : memref<8x128x64xf32, #tpu.memory_space<vmem>> -> memref<1x128x64xf32, #tpu.memory_space<vmem>>
        %dma_start3A_584 = tpu.memref_squeeze %dma_start3A_583 : memref<1x128x64xf32, #tpu.memory_space<vmem>> -> memref<128x64xf32, #tpu.memory_space<vmem>>
        %dma_start3A_585 = arith.constant 0 : i32
        %dma_start3A_586 = tpu.memref_slice %arg4[%add3A_410, %dma_start3A_585] : memref<327680x64xf32, #tpu.memory_space<hbm>> -> memref<128x64xf32, #tpu.memory_space<hbm>>
        %dma_start3A_587 = arith.constant 0 : i32
        %dma_start3A_588 = tpu.memref_slice %arg4[%add3A_410, %dma_start3A_587] : memref<327680x64xf32, #tpu.memory_space<hbm>> -> memref<128x64xf32, #tpu.memory_space<hbm>>
        %dma_start3A_589 = arith.constant 0 : i32
        %dma_start3A_590 = arith.constant 0 : i32
        %dma_start3A_591 = tpu.memref_slice %arg6[%run_scoped3A_411, %dma_start3A_589, %dma_start3A_590] : memref<8x128x64xf32, #tpu.memory_space<vmem>> -> memref<1x128x64xf32, #tpu.memory_space<vmem>>
        %dma_start3A_592 = tpu.memref_squeeze %dma_start3A_591 : memref<1x128x64xf32, #tpu.memory_space<vmem>> -> memref<128x64xf32, #tpu.memory_space<vmem>>
        tpu.enqueue_dma source(%dma_start3A_592 : memref<128x64xf32, #tpu.memory_space<vmem>>) target(%dma_start3A_588 : memref<128x64xf32, #tpu.memory_space<hbm>>) target_semaphore(%run_scoped3A_580 : memref<!tpu.dma_semaphore, #tpu.memory_space<semaphore_mem>>)
        %dma_wait3A_593 = arith.constant 0 : i32
        %dma_wait3A_594 = arith.constant 0 : i32
        %dma_wait3A_595 = tpu.memref_slice %arg6[%run_scoped3A_411, %dma_wait3A_593, %dma_wait3A_594] : memref<8x128x64xf32, #tpu.memory_space<vmem>> -> memref<1x128x64xf32, #tpu.memory_space<vmem>>
        %dma_wait3A_596 = tpu.memref_squeeze %dma_wait3A_595 : memref<1x128x64xf32, #tpu.memory_space<vmem>> -> memref<128x64xf32, #tpu.memory_space<vmem>>
        %dma_wait3A_597 = arith.constant 0 : i32
        %dma_wait3A_598 = tpu.memref_slice %arg4[%add3A_410, %dma_wait3A_597] : memref<327680x64xf32, #tpu.memory_space<hbm>> -> memref<128x64xf32, #tpu.memory_space<hbm>>
        %dma_wait3A_599 = arith.constant 0 : i32
        %dma_wait3A_600 = tpu.memref_slice %arg4[%add3A_410, %dma_wait3A_599] : memref<327680x64xf32, #tpu.memory_space<hbm>> -> memref<128x64xf32, #tpu.memory_space<hbm>>
        %dma_wait3A_601 = arith.constant 0 : i32
        %dma_wait3A_602 = arith.constant 0 : i32
        %dma_wait3A_603 = tpu.memref_slice %arg6[%run_scoped3A_411, %dma_wait3A_601, %dma_wait3A_602] : memref<8x128x64xf32, #tpu.memory_space<vmem>> -> memref<1x128x64xf32, #tpu.memory_space<vmem>>
        %dma_wait3A_604 = tpu.memref_squeeze %dma_wait3A_603 : memref<1x128x64xf32, #tpu.memory_space<vmem>> -> memref<128x64xf32, #tpu.memory_space<vmem>>
        tpu.wait_dma2 semaphore(%run_scoped3A_580 : memref<!tpu.dma_semaphore, #tpu.memory_space<semaphore_mem>>) src(%dma_wait3A_604 : memref<128x64xf32, #tpu.memory_space<vmem>>) dst(%dma_wait3A_600 : memref<128x64xf32, #tpu.memory_space<hbm>>)
        tpu.yield
      }) : () -> ()
      %add3A_412 = arith.constant 8 : i32
      %add3A_413 = arith.addi %add3A_393, %add3A_412 : i32
      %dma_start3A_414 = arith.constant 3 : i32
      %dma_start3A_415 = arith.constant 3 : i32
      %dma_start3A_416 = arith.constant 0 : i32
      %dma_start3A_417 = arith.constant 0 : i32
      %dma_start3A_418 = tpu.memref_slice %arg6[%dma_start3A_414, %dma_start3A_416, %dma_start3A_417] : memref<8x128x64xf32, #tpu.memory_space<vmem>> -> memref<1x128x64xf32, #tpu.memory_space<vmem>>
      %dma_start3A_419 = tpu.memref_squeeze %dma_start3A_418 : memref<1x128x64xf32, #tpu.memory_space<vmem>> -> memref<128x64xf32, #tpu.memory_space<vmem>>
      %dma_start3A_420 = arith.constant 0 : i32
      %dma_start3A_421 = tpu.memref_slice %arg5[%add3A_413, %dma_start3A_420] : memref<80x128xi32, #tpu.memory_space<vmem>> -> memref<1x128xi32, #tpu.memory_space<vmem>>
      %dma_start3A_422 = tpu.memref_squeeze %dma_start3A_421 : memref<1x128xi32, #tpu.memory_space<vmem>> -> memref<128xi32, #tpu.memory_space<vmem>>
      %dma_start3A_423 = arith.constant 0 : i32
      %dma_start3A_424 = arith.constant 0 : i32
      %dma_start3A_425 = tpu.memref_slice %arg3[%dma_start3A_423, %dma_start3A_424] : memref<1015808x64xf32, #tpu.memory_space<hbm>> -> memref<1015808x64xf32, #tpu.memory_space<hbm>>
      %dma_start3A_426 = tpu.memref_slice %arg7[%dma_start3A_415] : memref<8x!tpu.dma_semaphore, #tpu.memory_space<semaphore_mem>> -> memref<1x!tpu.dma_semaphore, #tpu.memory_space<semaphore_mem>>
      %dma_start3A_427 = tpu.memref_squeeze %dma_start3A_426 : memref<1x!tpu.dma_semaphore, #tpu.memory_space<semaphore_mem>> -> memref<!tpu.dma_semaphore, #tpu.memory_space<semaphore_mem>>
      tpu.enqueue_indirect_dma source(%dma_start3A_425 : memref<1015808x64xf32, #tpu.memory_space<hbm>>) target(%dma_start3A_419 : memref<128x64xf32, #tpu.memory_space<vmem>>) offsets(%dma_start3A_422 : memref<128xi32, #tpu.memory_space<vmem>>) semaphore(%dma_start3A_427 : memref<!tpu.dma_semaphore, #tpu.memory_space<semaphore_mem>>)
      %mul3A_428 = arith.constant 8 : i32
      %mul3A_429 = arith.muli %scan3A_275, %mul3A_428 : i32
      %add3A_430 = arith.constant 4 : i32
      %add3A_431 = arith.addi %mul3A_429, %add3A_430 : i32
      %dma_wait3A_432 = arith.constant 4 : i32
      %dma_wait3A_433 = arith.constant 4 : i32
      %dma_wait3A_434 = arith.constant 0 : i32
      %dma_wait3A_435 = arith.constant 0 : i32
      %dma_wait3A_436 = tpu.memref_slice %arg6[%dma_wait3A_432, %dma_wait3A_434, %dma_wait3A_435] : memref<8x128x64xf32, #tpu.memory_space<vmem>> -> memref<1x128x64xf32, #tpu.memory_space<vmem>>
      %dma_wait3A_437 = tpu.memref_squeeze %dma_wait3A_436 : memref<1x128x64xf32, #tpu.memory_space<vmem>> -> memref<128x64xf32, #tpu.memory_space<vmem>>
      %dma_wait3A_438 = arith.constant 0 : i32
      %dma_wait3A_439 = tpu.memref_slice %arg5[%add3A_431, %dma_wait3A_438] : memref<80x128xi32, #tpu.memory_space<vmem>> -> memref<1x128xi32, #tpu.memory_space<vmem>>
      %dma_wait3A_440 = tpu.memref_squeeze %dma_wait3A_439 : memref<1x128xi32, #tpu.memory_space<vmem>> -> memref<128xi32, #tpu.memory_space<vmem>>
      %dma_wait3A_441 = arith.constant 0 : i32
      %dma_wait3A_442 = arith.constant 0 : i32
      %dma_wait3A_443 = tpu.memref_slice %arg3[%dma_wait3A_441, %dma_wait3A_442] : memref<1015808x64xf32, #tpu.memory_space<hbm>> -> memref<1015808x64xf32, #tpu.memory_space<hbm>>
      %dma_wait3A_444 = tpu.memref_slice %arg7[%dma_wait3A_433] : memref<8x!tpu.dma_semaphore, #tpu.memory_space<semaphore_mem>> -> memref<1x!tpu.dma_semaphore, #tpu.memory_space<semaphore_mem>>
      %dma_wait3A_445 = tpu.memref_squeeze %dma_wait3A_444 : memref<1x!tpu.dma_semaphore, #tpu.memory_space<semaphore_mem>> -> memref<!tpu.dma_semaphore, #tpu.memory_space<semaphore_mem>>
      tpu.wait_indirect_dma semaphore(%dma_wait3A_445 : memref<!tpu.dma_semaphore, #tpu.memory_space<semaphore_mem>>) src(%dma_wait3A_443 : memref<1015808x64xf32, #tpu.memory_space<hbm>>) dst(%dma_wait3A_437 : memref<128x64xf32, #tpu.memory_space<vmem>>)
      %mul3A_446 = arith.constant 128 : i32
      %mul3A_447 = arith.muli %add3A_431, %mul3A_446 : i32
      %add3A_448 = arith.addi %mul3A_2, %mul3A_447 : i32
      %run_scoped3A_449 = arith.constant 4 : i32
      "tpu.region"() ({
        %run_scoped3A_580 = tpu.sem_alloc : memref<!tpu.dma_semaphore, #tpu.memory_space<semaphore_mem>>
        %dma_start3A_581 = arith.constant 0 : i32
        %dma_start3A_582 = arith.constant 0 : i32
        %dma_start3A_583 = tpu.memref_slice %arg6[%run_scoped3A_449, %dma_start3A_581, %dma_start3A_582] : memref<8x128x64xf32, #tpu.memory_space<vmem>> -> memref<1x128x64xf32, #tpu.memory_space<vmem>>
        %dma_start3A_584 = tpu.memref_squeeze %dma_start3A_583 : memref<1x128x64xf32, #tpu.memory_space<vmem>> -> memref<128x64xf32, #tpu.memory_space<vmem>>
        %dma_start3A_585 = arith.constant 0 : i32
        %dma_start3A_586 = tpu.memref_slice %arg4[%add3A_448, %dma_start3A_585] : memref<327680x64xf32, #tpu.memory_space<hbm>> -> memref<128x64xf32, #tpu.memory_space<hbm>>
        %dma_start3A_587 = arith.constant 0 : i32
        %dma_start3A_588 = tpu.memref_slice %arg4[%add3A_448, %dma_start3A_587] : memref<327680x64xf32, #tpu.memory_space<hbm>> -> memref<128x64xf32, #tpu.memory_space<hbm>>
        %dma_start3A_589 = arith.constant 0 : i32
        %dma_start3A_590 = arith.constant 0 : i32
        %dma_start3A_591 = tpu.memref_slice %arg6[%run_scoped3A_449, %dma_start3A_589, %dma_start3A_590] : memref<8x128x64xf32, #tpu.memory_space<vmem>> -> memref<1x128x64xf32, #tpu.memory_space<vmem>>
        %dma_start3A_592 = tpu.memref_squeeze %dma_start3A_591 : memref<1x128x64xf32, #tpu.memory_space<vmem>> -> memref<128x64xf32, #tpu.memory_space<vmem>>
        tpu.enqueue_dma source(%dma_start3A_592 : memref<128x64xf32, #tpu.memory_space<vmem>>) target(%dma_start3A_588 : memref<128x64xf32, #tpu.memory_space<hbm>>) target_semaphore(%run_scoped3A_580 : memref<!tpu.dma_semaphore, #tpu.memory_space<semaphore_mem>>)
        %dma_wait3A_593 = arith.constant 0 : i32
        %dma_wait3A_594 = arith.constant 0 : i32
        %dma_wait3A_595 = tpu.memref_slice %arg6[%run_scoped3A_449, %dma_wait3A_593, %dma_wait3A_594] : memref<8x128x64xf32, #tpu.memory_space<vmem>> -> memref<1x128x64xf32, #tpu.memory_space<vmem>>
        %dma_wait3A_596 = tpu.memref_squeeze %dma_wait3A_595 : memref<1x128x64xf32, #tpu.memory_space<vmem>> -> memref<128x64xf32, #tpu.memory_space<vmem>>
        %dma_wait3A_597 = arith.constant 0 : i32
        %dma_wait3A_598 = tpu.memref_slice %arg4[%add3A_448, %dma_wait3A_597] : memref<327680x64xf32, #tpu.memory_space<hbm>> -> memref<128x64xf32, #tpu.memory_space<hbm>>
        %dma_wait3A_599 = arith.constant 0 : i32
        %dma_wait3A_600 = tpu.memref_slice %arg4[%add3A_448, %dma_wait3A_599] : memref<327680x64xf32, #tpu.memory_space<hbm>> -> memref<128x64xf32, #tpu.memory_space<hbm>>
        %dma_wait3A_601 = arith.constant 0 : i32
        %dma_wait3A_602 = arith.constant 0 : i32
        %dma_wait3A_603 = tpu.memref_slice %arg6[%run_scoped3A_449, %dma_wait3A_601, %dma_wait3A_602] : memref<8x128x64xf32, #tpu.memory_space<vmem>> -> memref<1x128x64xf32, #tpu.memory_space<vmem>>
        %dma_wait3A_604 = tpu.memref_squeeze %dma_wait3A_603 : memref<1x128x64xf32, #tpu.memory_space<vmem>> -> memref<128x64xf32, #tpu.memory_space<vmem>>
        tpu.wait_dma2 semaphore(%run_scoped3A_580 : memref<!tpu.dma_semaphore, #tpu.memory_space<semaphore_mem>>) src(%dma_wait3A_604 : memref<128x64xf32, #tpu.memory_space<vmem>>) dst(%dma_wait3A_600 : memref<128x64xf32, #tpu.memory_space<hbm>>)
        tpu.yield
      }) : () -> ()
      %add3A_450 = arith.constant 8 : i32
      %add3A_451 = arith.addi %add3A_431, %add3A_450 : i32
      %dma_start3A_452 = arith.constant 4 : i32
      %dma_start3A_453 = arith.constant 4 : i32
      %dma_start3A_454 = arith.constant 0 : i32
      %dma_start3A_455 = arith.constant 0 : i32
      %dma_start3A_456 = tpu.memref_slice %arg6[%dma_start3A_452, %dma_start3A_454, %dma_start3A_455] : memref<8x128x64xf32, #tpu.memory_space<vmem>> -> memref<1x128x64xf32, #tpu.memory_space<vmem>>
      %dma_start3A_457 = tpu.memref_squeeze %dma_start3A_456 : memref<1x128x64xf32, #tpu.memory_space<vmem>> -> memref<128x64xf32, #tpu.memory_space<vmem>>
      %dma_start3A_458 = arith.constant 0 : i32
      %dma_start3A_459 = tpu.memref_slice %arg5[%add3A_451, %dma_start3A_458] : memref<80x128xi32, #tpu.memory_space<vmem>> -> memref<1x128xi32, #tpu.memory_space<vmem>>
      %dma_start3A_460 = tpu.memref_squeeze %dma_start3A_459 : memref<1x128xi32, #tpu.memory_space<vmem>> -> memref<128xi32, #tpu.memory_space<vmem>>
      %dma_start3A_461 = arith.constant 0 : i32
      %dma_start3A_462 = arith.constant 0 : i32
      %dma_start3A_463 = tpu.memref_slice %arg3[%dma_start3A_461, %dma_start3A_462] : memref<1015808x64xf32, #tpu.memory_space<hbm>> -> memref<1015808x64xf32, #tpu.memory_space<hbm>>
      %dma_start3A_464 = tpu.memref_slice %arg7[%dma_start3A_453] : memref<8x!tpu.dma_semaphore, #tpu.memory_space<semaphore_mem>> -> memref<1x!tpu.dma_semaphore, #tpu.memory_space<semaphore_mem>>
      %dma_start3A_465 = tpu.memref_squeeze %dma_start3A_464 : memref<1x!tpu.dma_semaphore, #tpu.memory_space<semaphore_mem>> -> memref<!tpu.dma_semaphore, #tpu.memory_space<semaphore_mem>>
      tpu.enqueue_indirect_dma source(%dma_start3A_463 : memref<1015808x64xf32, #tpu.memory_space<hbm>>) target(%dma_start3A_457 : memref<128x64xf32, #tpu.memory_space<vmem>>) offsets(%dma_start3A_460 : memref<128xi32, #tpu.memory_space<vmem>>) semaphore(%dma_start3A_465 : memref<!tpu.dma_semaphore, #tpu.memory_space<semaphore_mem>>)
      %mul3A_466 = arith.constant 8 : i32
      %mul3A_467 = arith.muli %scan3A_275, %mul3A_466 : i32
      %add3A_468 = arith.constant 5 : i32
      %add3A_469 = arith.addi %mul3A_467, %add3A_468 : i32
      %dma_wait3A_470 = arith.constant 5 : i32
      %dma_wait3A_471 = arith.constant 5 : i32
      %dma_wait3A_472 = arith.constant 0 : i32
      %dma_wait3A_473 = arith.constant 0 : i32
      %dma_wait3A_474 = tpu.memref_slice %arg6[%dma_wait3A_470, %dma_wait3A_472, %dma_wait3A_473] : memref<8x128x64xf32, #tpu.memory_space<vmem>> -> memref<1x128x64xf32, #tpu.memory_space<vmem>>
      %dma_wait3A_475 = tpu.memref_squeeze %dma_wait3A_474 : memref<1x128x64xf32, #tpu.memory_space<vmem>> -> memref<128x64xf32, #tpu.memory_space<vmem>>
      %dma_wait3A_476 = arith.constant 0 : i32
      %dma_wait3A_477 = tpu.memref_slice %arg5[%add3A_469, %dma_wait3A_476] : memref<80x128xi32, #tpu.memory_space<vmem>> -> memref<1x128xi32, #tpu.memory_space<vmem>>
      %dma_wait3A_478 = tpu.memref_squeeze %dma_wait3A_477 : memref<1x128xi32, #tpu.memory_space<vmem>> -> memref<128xi32, #tpu.memory_space<vmem>>
      %dma_wait3A_479 = arith.constant 0 : i32
      %dma_wait3A_480 = arith.constant 0 : i32
      %dma_wait3A_481 = tpu.memref_slice %arg3[%dma_wait3A_479, %dma_wait3A_480] : memref<1015808x64xf32, #tpu.memory_space<hbm>> -> memref<1015808x64xf32, #tpu.memory_space<hbm>>
      %dma_wait3A_482 = tpu.memref_slice %arg7[%dma_wait3A_471] : memref<8x!tpu.dma_semaphore, #tpu.memory_space<semaphore_mem>> -> memref<1x!tpu.dma_semaphore, #tpu.memory_space<semaphore_mem>>
      %dma_wait3A_483 = tpu.memref_squeeze %dma_wait3A_482 : memref<1x!tpu.dma_semaphore, #tpu.memory_space<semaphore_mem>> -> memref<!tpu.dma_semaphore, #tpu.memory_space<semaphore_mem>>
      tpu.wait_indirect_dma semaphore(%dma_wait3A_483 : memref<!tpu.dma_semaphore, #tpu.memory_space<semaphore_mem>>) src(%dma_wait3A_481 : memref<1015808x64xf32, #tpu.memory_space<hbm>>) dst(%dma_wait3A_475 : memref<128x64xf32, #tpu.memory_space<vmem>>)
      %mul3A_484 = arith.constant 128 : i32
      %mul3A_485 = arith.muli %add3A_469, %mul3A_484 : i32
      %add3A_486 = arith.addi %mul3A_2, %mul3A_485 : i32
      %run_scoped3A_487 = arith.constant 5 : i32
      "tpu.region"() ({
        %run_scoped3A_580 = tpu.sem_alloc : memref<!tpu.dma_semaphore, #tpu.memory_space<semaphore_mem>>
        %dma_start3A_581 = arith.constant 0 : i32
        %dma_start3A_582 = arith.constant 0 : i32
        %dma_start3A_583 = tpu.memref_slice %arg6[%run_scoped3A_487, %dma_start3A_581, %dma_start3A_582] : memref<8x128x64xf32, #tpu.memory_space<vmem>> -> memref<1x128x64xf32, #tpu.memory_space<vmem>>
        %dma_start3A_584 = tpu.memref_squeeze %dma_start3A_583 : memref<1x128x64xf32, #tpu.memory_space<vmem>> -> memref<128x64xf32, #tpu.memory_space<vmem>>
        %dma_start3A_585 = arith.constant 0 : i32
        %dma_start3A_586 = tpu.memref_slice %arg4[%add3A_486, %dma_start3A_585] : memref<327680x64xf32, #tpu.memory_space<hbm>> -> memref<128x64xf32, #tpu.memory_space<hbm>>
        %dma_start3A_587 = arith.constant 0 : i32
        %dma_start3A_588 = tpu.memref_slice %arg4[%add3A_486, %dma_start3A_587] : memref<327680x64xf32, #tpu.memory_space<hbm>> -> memref<128x64xf32, #tpu.memory_space<hbm>>
        %dma_start3A_589 = arith.constant 0 : i32
        %dma_start3A_590 = arith.constant 0 : i32
        %dma_start3A_591 = tpu.memref_slice %arg6[%run_scoped3A_487, %dma_start3A_589, %dma_start3A_590] : memref<8x128x64xf32, #tpu.memory_space<vmem>> -> memref<1x128x64xf32, #tpu.memory_space<vmem>>
        %dma_start3A_592 = tpu.memref_squeeze %dma_start3A_591 : memref<1x128x64xf32, #tpu.memory_space<vmem>> -> memref<128x64xf32, #tpu.memory_space<vmem>>
        tpu.enqueue_dma source(%dma_start3A_592 : memref<128x64xf32, #tpu.memory_space<vmem>>) target(%dma_start3A_588 : memref<128x64xf32, #tpu.memory_space<hbm>>) target_semaphore(%run_scoped3A_580 : memref<!tpu.dma_semaphore, #tpu.memory_space<semaphore_mem>>)
        %dma_wait3A_593 = arith.constant 0 : i32
        %dma_wait3A_594 = arith.constant 0 : i32
        %dma_wait3A_595 = tpu.memref_slice %arg6[%run_scoped3A_487, %dma_wait3A_593, %dma_wait3A_594] : memref<8x128x64xf32, #tpu.memory_space<vmem>> -> memref<1x128x64xf32, #tpu.memory_space<vmem>>
        %dma_wait3A_596 = tpu.memref_squeeze %dma_wait3A_595 : memref<1x128x64xf32, #tpu.memory_space<vmem>> -> memref<128x64xf32, #tpu.memory_space<vmem>>
        %dma_wait3A_597 = arith.constant 0 : i32
        %dma_wait3A_598 = tpu.memref_slice %arg4[%add3A_486, %dma_wait3A_597] : memref<327680x64xf32, #tpu.memory_space<hbm>> -> memref<128x64xf32, #tpu.memory_space<hbm>>
        %dma_wait3A_599 = arith.constant 0 : i32
        %dma_wait3A_600 = tpu.memref_slice %arg4[%add3A_486, %dma_wait3A_599] : memref<327680x64xf32, #tpu.memory_space<hbm>> -> memref<128x64xf32, #tpu.memory_space<hbm>>
        %dma_wait3A_601 = arith.constant 0 : i32
        %dma_wait3A_602 = arith.constant 0 : i32
        %dma_wait3A_603 = tpu.memref_slice %arg6[%run_scoped3A_487, %dma_wait3A_601, %dma_wait3A_602] : memref<8x128x64xf32, #tpu.memory_space<vmem>> -> memref<1x128x64xf32, #tpu.memory_space<vmem>>
        %dma_wait3A_604 = tpu.memref_squeeze %dma_wait3A_603 : memref<1x128x64xf32, #tpu.memory_space<vmem>> -> memref<128x64xf32, #tpu.memory_space<vmem>>
        tpu.wait_dma2 semaphore(%run_scoped3A_580 : memref<!tpu.dma_semaphore, #tpu.memory_space<semaphore_mem>>) src(%dma_wait3A_604 : memref<128x64xf32, #tpu.memory_space<vmem>>) dst(%dma_wait3A_600 : memref<128x64xf32, #tpu.memory_space<hbm>>)
        tpu.yield
      }) : () -> ()
      %add3A_488 = arith.constant 8 : i32
      %add3A_489 = arith.addi %add3A_469, %add3A_488 : i32
      %dma_start3A_490 = arith.constant 5 : i32
      %dma_start3A_491 = arith.constant 5 : i32
      %dma_start3A_492 = arith.constant 0 : i32
      %dma_start3A_493 = arith.constant 0 : i32
      %dma_start3A_494 = tpu.memref_slice %arg6[%dma_start3A_490, %dma_start3A_492, %dma_start3A_493] : memref<8x128x64xf32, #tpu.memory_space<vmem>> -> memref<1x128x64xf32, #tpu.memory_space<vmem>>
      %dma_start3A_495 = tpu.memref_squeeze %dma_start3A_494 : memref<1x128x64xf32, #tpu.memory_space<vmem>> -> memref<128x64xf32, #tpu.memory_space<vmem>>
      %dma_start3A_496 = arith.constant 0 : i32
      %dma_start3A_497 = tpu.memref_slice %arg5[%add3A_489, %dma_start3A_496] : memref<80x128xi32, #tpu.memory_space<vmem>> -> memref<1x128xi32, #tpu.memory_space<vmem>>
      %dma_start3A_498 = tpu.memref_squeeze %dma_start3A_497 : memref<1x128xi32, #tpu.memory_space<vmem>> -> memref<128xi32, #tpu.memory_space<vmem>>
      %dma_start3A_499 = arith.constant 0 : i32
      %dma_start3A_500 = arith.constant 0 : i32
      %dma_start3A_501 = tpu.memref_slice %arg3[%dma_start3A_499, %dma_start3A_500] : memref<1015808x64xf32, #tpu.memory_space<hbm>> -> memref<1015808x64xf32, #tpu.memory_space<hbm>>
      %dma_start3A_502 = tpu.memref_slice %arg7[%dma_start3A_491] : memref<8x!tpu.dma_semaphore, #tpu.memory_space<semaphore_mem>> -> memref<1x!tpu.dma_semaphore, #tpu.memory_space<semaphore_mem>>
      %dma_start3A_503 = tpu.memref_squeeze %dma_start3A_502 : memref<1x!tpu.dma_semaphore, #tpu.memory_space<semaphore_mem>> -> memref<!tpu.dma_semaphore, #tpu.memory_space<semaphore_mem>>
      tpu.enqueue_indirect_dma source(%dma_start3A_501 : memref<1015808x64xf32, #tpu.memory_space<hbm>>) target(%dma_start3A_495 : memref<128x64xf32, #tpu.memory_space<vmem>>) offsets(%dma_start3A_498 : memref<128xi32, #tpu.memory_space<vmem>>) semaphore(%dma_start3A_503 : memref<!tpu.dma_semaphore, #tpu.memory_space<semaphore_mem>>)
      %mul3A_504 = arith.constant 8 : i32
      %mul3A_505 = arith.muli %scan3A_275, %mul3A_504 : i32
      %add3A_506 = arith.constant 6 : i32
      %add3A_507 = arith.addi %mul3A_505, %add3A_506 : i32
      %dma_wait3A_508 = arith.constant 6 : i32
      %dma_wait3A_509 = arith.constant 6 : i32
      %dma_wait3A_510 = arith.constant 0 : i32
      %dma_wait3A_511 = arith.constant 0 : i32
      %dma_wait3A_512 = tpu.memref_slice %arg6[%dma_wait3A_508, %dma_wait3A_510, %dma_wait3A_511] : memref<8x128x64xf32, #tpu.memory_space<vmem>> -> memref<1x128x64xf32, #tpu.memory_space<vmem>>
      %dma_wait3A_513 = tpu.memref_squeeze %dma_wait3A_512 : memref<1x128x64xf32, #tpu.memory_space<vmem>> -> memref<128x64xf32, #tpu.memory_space<vmem>>
      %dma_wait3A_514 = arith.constant 0 : i32
      %dma_wait3A_515 = tpu.memref_slice %arg5[%add3A_507, %dma_wait3A_514] : memref<80x128xi32, #tpu.memory_space<vmem>> -> memref<1x128xi32, #tpu.memory_space<vmem>>
      %dma_wait3A_516 = tpu.memref_squeeze %dma_wait3A_515 : memref<1x128xi32, #tpu.memory_space<vmem>> -> memref<128xi32, #tpu.memory_space<vmem>>
      %dma_wait3A_517 = arith.constant 0 : i32
      %dma_wait3A_518 = arith.constant 0 : i32
      %dma_wait3A_519 = tpu.memref_slice %arg3[%dma_wait3A_517, %dma_wait3A_518] : memref<1015808x64xf32, #tpu.memory_space<hbm>> -> memref<1015808x64xf32, #tpu.memory_space<hbm>>
      %dma_wait3A_520 = tpu.memref_slice %arg7[%dma_wait3A_509] : memref<8x!tpu.dma_semaphore, #tpu.memory_space<semaphore_mem>> -> memref<1x!tpu.dma_semaphore, #tpu.memory_space<semaphore_mem>>
      %dma_wait3A_521 = tpu.memref_squeeze %dma_wait3A_520 : memref<1x!tpu.dma_semaphore, #tpu.memory_space<semaphore_mem>> -> memref<!tpu.dma_semaphore, #tpu.memory_space<semaphore_mem>>
      tpu.wait_indirect_dma semaphore(%dma_wait3A_521 : memref<!tpu.dma_semaphore, #tpu.memory_space<semaphore_mem>>) src(%dma_wait3A_519 : memref<1015808x64xf32, #tpu.memory_space<hbm>>) dst(%dma_wait3A_513 : memref<128x64xf32, #tpu.memory_space<vmem>>)
      %mul3A_522 = arith.constant 128 : i32
      %mul3A_523 = arith.muli %add3A_507, %mul3A_522 : i32
      %add3A_524 = arith.addi %mul3A_2, %mul3A_523 : i32
      %run_scoped3A_525 = arith.constant 6 : i32
      "tpu.region"() ({
        %run_scoped3A_580 = tpu.sem_alloc : memref<!tpu.dma_semaphore, #tpu.memory_space<semaphore_mem>>
        %dma_start3A_581 = arith.constant 0 : i32
        %dma_start3A_582 = arith.constant 0 : i32
        %dma_start3A_583 = tpu.memref_slice %arg6[%run_scoped3A_525, %dma_start3A_581, %dma_start3A_582] : memref<8x128x64xf32, #tpu.memory_space<vmem>> -> memref<1x128x64xf32, #tpu.memory_space<vmem>>
        %dma_start3A_584 = tpu.memref_squeeze %dma_start3A_583 : memref<1x128x64xf32, #tpu.memory_space<vmem>> -> memref<128x64xf32, #tpu.memory_space<vmem>>
        %dma_start3A_585 = arith.constant 0 : i32
        %dma_start3A_586 = tpu.memref_slice %arg4[%add3A_524, %dma_start3A_585] : memref<327680x64xf32, #tpu.memory_space<hbm>> -> memref<128x64xf32, #tpu.memory_space<hbm>>
        %dma_start3A_587 = arith.constant 0 : i32
        %dma_start3A_588 = tpu.memref_slice %arg4[%add3A_524, %dma_start3A_587] : memref<327680x64xf32, #tpu.memory_space<hbm>> -> memref<128x64xf32, #tpu.memory_space<hbm>>
        %dma_start3A_589 = arith.constant 0 : i32
        %dma_start3A_590 = arith.constant 0 : i32
        %dma_start3A_591 = tpu.memref_slice %arg6[%run_scoped3A_525, %dma_start3A_589, %dma_start3A_590] : memref<8x128x64xf32, #tpu.memory_space<vmem>> -> memref<1x128x64xf32, #tpu.memory_space<vmem>>
        %dma_start3A_592 = tpu.memref_squeeze %dma_start3A_591 : memref<1x128x64xf32, #tpu.memory_space<vmem>> -> memref<128x64xf32, #tpu.memory_space<vmem>>
        tpu.enqueue_dma source(%dma_start3A_592 : memref<128x64xf32, #tpu.memory_space<vmem>>) target(%dma_start3A_588 : memref<128x64xf32, #tpu.memory_space<hbm>>) target_semaphore(%run_scoped3A_580 : memref<!tpu.dma_semaphore, #tpu.memory_space<semaphore_mem>>)
        %dma_wait3A_593 = arith.constant 0 : i32
        %dma_wait3A_594 = arith.constant 0 : i32
        %dma_wait3A_595 = tpu.memref_slice %arg6[%run_scoped3A_525, %dma_wait3A_593, %dma_wait3A_594] : memref<8x128x64xf32, #tpu.memory_space<vmem>> -> memref<1x128x64xf32, #tpu.memory_space<vmem>>
        %dma_wait3A_596 = tpu.memref_squeeze %dma_wait3A_595 : memref<1x128x64xf32, #tpu.memory_space<vmem>> -> memref<128x64xf32, #tpu.memory_space<vmem>>
        %dma_wait3A_597 = arith.constant 0 : i32
        %dma_wait3A_598 = tpu.memref_slice %arg4[%add3A_524, %dma_wait3A_597] : memref<327680x64xf32, #tpu.memory_space<hbm>> -> memref<128x64xf32, #tpu.memory_space<hbm>>
        %dma_wait3A_599 = arith.constant 0 : i32
        %dma_wait3A_600 = tpu.memref_slice %arg4[%add3A_524, %dma_wait3A_599] : memref<327680x64xf32, #tpu.memory_space<hbm>> -> memref<128x64xf32, #tpu.memory_space<hbm>>
        %dma_wait3A_601 = arith.constant 0 : i32
        %dma_wait3A_602 = arith.constant 0 : i32
        %dma_wait3A_603 = tpu.memref_slice %arg6[%run_scoped3A_525, %dma_wait3A_601, %dma_wait3A_602] : memref<8x128x64xf32, #tpu.memory_space<vmem>> -> memref<1x128x64xf32, #tpu.memory_space<vmem>>
        %dma_wait3A_604 = tpu.memref_squeeze %dma_wait3A_603 : memref<1x128x64xf32, #tpu.memory_space<vmem>> -> memref<128x64xf32, #tpu.memory_space<vmem>>
        tpu.wait_dma2 semaphore(%run_scoped3A_580 : memref<!tpu.dma_semaphore, #tpu.memory_space<semaphore_mem>>) src(%dma_wait3A_604 : memref<128x64xf32, #tpu.memory_space<vmem>>) dst(%dma_wait3A_600 : memref<128x64xf32, #tpu.memory_space<hbm>>)
        tpu.yield
      }) : () -> ()
      %add3A_526 = arith.constant 8 : i32
      %add3A_527 = arith.addi %add3A_507, %add3A_526 : i32
      %dma_start3A_528 = arith.constant 6 : i32
      %dma_start3A_529 = arith.constant 6 : i32
      %dma_start3A_530 = arith.constant 0 : i32
      %dma_start3A_531 = arith.constant 0 : i32
      %dma_start3A_532 = tpu.memref_slice %arg6[%dma_start3A_528, %dma_start3A_530, %dma_start3A_531] : memref<8x128x64xf32, #tpu.memory_space<vmem>> -> memref<1x128x64xf32, #tpu.memory_space<vmem>>
      %dma_start3A_533 = tpu.memref_squeeze %dma_start3A_532 : memref<1x128x64xf32, #tpu.memory_space<vmem>> -> memref<128x64xf32, #tpu.memory_space<vmem>>
      %dma_start3A_534 = arith.constant 0 : i32
      %dma_start3A_535 = tpu.memref_slice %arg5[%add3A_527, %dma_start3A_534] : memref<80x128xi32, #tpu.memory_space<vmem>> -> memref<1x128xi32, #tpu.memory_space<vmem>>
      %dma_start3A_536 = tpu.memref_squeeze %dma_start3A_535 : memref<1x128xi32, #tpu.memory_space<vmem>> -> memref<128xi32, #tpu.memory_space<vmem>>
      %dma_start3A_537 = arith.constant 0 : i32
      %dma_start3A_538 = arith.constant 0 : i32
      %dma_start3A_539 = tpu.memref_slice %arg3[%dma_start3A_537, %dma_start3A_538] : memref<1015808x64xf32, #tpu.memory_space<hbm>> -> memref<1015808x64xf32, #tpu.memory_space<hbm>>
      %dma_start3A_540 = tpu.memref_slice %arg7[%dma_start3A_529] : memref<8x!tpu.dma_semaphore, #tpu.memory_space<semaphore_mem>> -> memref<1x!tpu.dma_semaphore, #tpu.memory_space<semaphore_mem>>
      %dma_start3A_541 = tpu.memref_squeeze %dma_start3A_540 : memref<1x!tpu.dma_semaphore, #tpu.memory_space<semaphore_mem>> -> memref<!tpu.dma_semaphore, #tpu.memory_space<semaphore_mem>>
      tpu.enqueue_indirect_dma source(%dma_start3A_539 : memref<1015808x64xf32, #tpu.memory_space<hbm>>) target(%dma_start3A_533 : memref<128x64xf32, #tpu.memory_space<vmem>>) offsets(%dma_start3A_536 : memref<128xi32, #tpu.memory_space<vmem>>) semaphore(%dma_start3A_541 : memref<!tpu.dma_semaphore, #tpu.memory_space<semaphore_mem>>)
      %mul3A_542 = arith.constant 8 : i32
      %mul3A_543 = arith.muli %scan3A_275, %mul3A_542 : i32
      %add3A_544 = arith.constant 7 : i32
      %add3A_545 = arith.addi %mul3A_543, %add3A_544 : i32
      %dma_wait3A_546 = arith.constant 7 : i32
      %dma_wait3A_547 = arith.constant 7 : i32
      %dma_wait3A_548 = arith.constant 0 : i32
      %dma_wait3A_549 = arith.constant 0 : i32
      %dma_wait3A_550 = tpu.memref_slice %arg6[%dma_wait3A_546, %dma_wait3A_548, %dma_wait3A_549] : memref<8x128x64xf32, #tpu.memory_space<vmem>> -> memref<1x128x64xf32, #tpu.memory_space<vmem>>
      %dma_wait3A_551 = tpu.memref_squeeze %dma_wait3A_550 : memref<1x128x64xf32, #tpu.memory_space<vmem>> -> memref<128x64xf32, #tpu.memory_space<vmem>>
      %dma_wait3A_552 = arith.constant 0 : i32
      %dma_wait3A_553 = tpu.memref_slice %arg5[%add3A_545, %dma_wait3A_552] : memref<80x128xi32, #tpu.memory_space<vmem>> -> memref<1x128xi32, #tpu.memory_space<vmem>>
      %dma_wait3A_554 = tpu.memref_squeeze %dma_wait3A_553 : memref<1x128xi32, #tpu.memory_space<vmem>> -> memref<128xi32, #tpu.memory_space<vmem>>
      %dma_wait3A_555 = arith.constant 0 : i32
      %dma_wait3A_556 = arith.constant 0 : i32
      %dma_wait3A_557 = tpu.memref_slice %arg3[%dma_wait3A_555, %dma_wait3A_556] : memref<1015808x64xf32, #tpu.memory_space<hbm>> -> memref<1015808x64xf32, #tpu.memory_space<hbm>>
      %dma_wait3A_558 = tpu.memref_slice %arg7[%dma_wait3A_547] : memref<8x!tpu.dma_semaphore, #tpu.memory_space<semaphore_mem>> -> memref<1x!tpu.dma_semaphore, #tpu.memory_space<semaphore_mem>>
      %dma_wait3A_559 = tpu.memref_squeeze %dma_wait3A_558 : memref<1x!tpu.dma_semaphore, #tpu.memory_space<semaphore_mem>> -> memref<!tpu.dma_semaphore, #tpu.memory_space<semaphore_mem>>
      tpu.wait_indirect_dma semaphore(%dma_wait3A_559 : memref<!tpu.dma_semaphore, #tpu.memory_space<semaphore_mem>>) src(%dma_wait3A_557 : memref<1015808x64xf32, #tpu.memory_space<hbm>>) dst(%dma_wait3A_551 : memref<128x64xf32, #tpu.memory_space<vmem>>)
      %mul3A_560 = arith.constant 128 : i32
      %mul3A_561 = arith.muli %add3A_545, %mul3A_560 : i32
      %add3A_562 = arith.addi %mul3A_2, %mul3A_561 : i32
      %run_scoped3A_563 = arith.constant 7 : i32
      "tpu.region"() ({
        %run_scoped3A_580 = tpu.sem_alloc : memref<!tpu.dma_semaphore, #tpu.memory_space<semaphore_mem>>
        %dma_start3A_581 = arith.constant 0 : i32
        %dma_start3A_582 = arith.constant 0 : i32
        %dma_start3A_583 = tpu.memref_slice %arg6[%run_scoped3A_563, %dma_start3A_581, %dma_start3A_582] : memref<8x128x64xf32, #tpu.memory_space<vmem>> -> memref<1x128x64xf32, #tpu.memory_space<vmem>>
        %dma_start3A_584 = tpu.memref_squeeze %dma_start3A_583 : memref<1x128x64xf32, #tpu.memory_space<vmem>> -> memref<128x64xf32, #tpu.memory_space<vmem>>
        %dma_start3A_585 = arith.constant 0 : i32
        %dma_start3A_586 = tpu.memref_slice %arg4[%add3A_562, %dma_start3A_585] : memref<327680x64xf32, #tpu.memory_space<hbm>> -> memref<128x64xf32, #tpu.memory_space<hbm>>
        %dma_start3A_587 = arith.constant 0 : i32
        %dma_start3A_588 = tpu.memref_slice %arg4[%add3A_562, %dma_start3A_587] : memref<327680x64xf32, #tpu.memory_space<hbm>> -> memref<128x64xf32, #tpu.memory_space<hbm>>
        %dma_start3A_589 = arith.constant 0 : i32
        %dma_start3A_590 = arith.constant 0 : i32
        %dma_start3A_591 = tpu.memref_slice %arg6[%run_scoped3A_563, %dma_start3A_589, %dma_start3A_590] : memref<8x128x64xf32, #tpu.memory_space<vmem>> -> memref<1x128x64xf32, #tpu.memory_space<vmem>>
        %dma_start3A_592 = tpu.memref_squeeze %dma_start3A_591 : memref<1x128x64xf32, #tpu.memory_space<vmem>> -> memref<128x64xf32, #tpu.memory_space<vmem>>
        tpu.enqueue_dma source(%dma_start3A_592 : memref<128x64xf32, #tpu.memory_space<vmem>>) target(%dma_start3A_588 : memref<128x64xf32, #tpu.memory_space<hbm>>) target_semaphore(%run_scoped3A_580 : memref<!tpu.dma_semaphore, #tpu.memory_space<semaphore_mem>>)
        %dma_wait3A_593 = arith.constant 0 : i32
        %dma_wait3A_594 = arith.constant 0 : i32
        %dma_wait3A_595 = tpu.memref_slice %arg6[%run_scoped3A_563, %dma_wait3A_593, %dma_wait3A_594] : memref<8x128x64xf32, #tpu.memory_space<vmem>> -> memref<1x128x64xf32, #tpu.memory_space<vmem>>
        %dma_wait3A_596 = tpu.memref_squeeze %dma_wait3A_595 : memref<1x128x64xf32, #tpu.memory_space<vmem>> -> memref<128x64xf32, #tpu.memory_space<vmem>>
        %dma_wait3A_597 = arith.constant 0 : i32
        %dma_wait3A_598 = tpu.memref_slice %arg4[%add3A_562, %dma_wait3A_597] : memref<327680x64xf32, #tpu.memory_space<hbm>> -> memref<128x64xf32, #tpu.memory_space<hbm>>
        %dma_wait3A_599 = arith.constant 0 : i32
        %dma_wait3A_600 = tpu.memref_slice %arg4[%add3A_562, %dma_wait3A_599] : memref<327680x64xf32, #tpu.memory_space<hbm>> -> memref<128x64xf32, #tpu.memory_space<hbm>>
        %dma_wait3A_601 = arith.constant 0 : i32
        %dma_wait3A_602 = arith.constant 0 : i32
        %dma_wait3A_603 = tpu.memref_slice %arg6[%run_scoped3A_563, %dma_wait3A_601, %dma_wait3A_602] : memref<8x128x64xf32, #tpu.memory_space<vmem>> -> memref<1x128x64xf32, #tpu.memory_space<vmem>>
        %dma_wait3A_604 = tpu.memref_squeeze %dma_wait3A_603 : memref<1x128x64xf32, #tpu.memory_space<vmem>> -> memref<128x64xf32, #tpu.memory_space<vmem>>
        tpu.wait_dma2 semaphore(%run_scoped3A_580 : memref<!tpu.dma_semaphore, #tpu.memory_space<semaphore_mem>>) src(%dma_wait3A_604 : memref<128x64xf32, #tpu.memory_space<vmem>>) dst(%dma_wait3A_600 : memref<128x64xf32, #tpu.memory_space<hbm>>)
        tpu.yield
      }) : () -> ()
      %add3A_564 = arith.constant 8 : i32
      %add3A_565 = arith.addi %add3A_545, %add3A_564 : i32
      %dma_start3A_566 = arith.constant 7 : i32
      %dma_start3A_567 = arith.constant 7 : i32
      %dma_start3A_568 = arith.constant 0 : i32
      %dma_start3A_569 = arith.constant 0 : i32
      %dma_start3A_570 = tpu.memref_slice %arg6[%dma_start3A_566, %dma_start3A_568, %dma_start3A_569] : memref<8x128x64xf32, #tpu.memory_space<vmem>> -> memref<1x128x64xf32, #tpu.memory_space<vmem>>
      %dma_start3A_571 = tpu.memref_squeeze %dma_start3A_570 : memref<1x128x64xf32, #tpu.memory_space<vmem>> -> memref<128x64xf32, #tpu.memory_space<vmem>>
      %dma_start3A_572 = arith.constant 0 : i32
      %dma_start3A_573 = tpu.memref_slice %arg5[%add3A_565, %dma_start3A_572] : memref<80x128xi32, #tpu.memory_space<vmem>> -> memref<1x128xi32, #tpu.memory_space<vmem>>
      %dma_start3A_574 = tpu.memref_squeeze %dma_start3A_573 : memref<1x128xi32, #tpu.memory_space<vmem>> -> memref<128xi32, #tpu.memory_space<vmem>>
      %dma_start3A_575 = arith.constant 0 : i32
      %dma_start3A_576 = arith.constant 0 : i32
      %dma_start3A_577 = tpu.memref_slice %arg3[%dma_start3A_575, %dma_start3A_576] : memref<1015808x64xf32, #tpu.memory_space<hbm>> -> memref<1015808x64xf32, #tpu.memory_space<hbm>>
      %dma_start3A_578 = tpu.memref_slice %arg7[%dma_start3A_567] : memref<8x!tpu.dma_semaphore, #tpu.memory_space<semaphore_mem>> -> memref<1x!tpu.dma_semaphore, #tpu.memory_space<semaphore_mem>>
      %dma_start3A_579 = tpu.memref_squeeze %dma_start3A_578 : memref<1x!tpu.dma_semaphore, #tpu.memory_space<semaphore_mem>> -> memref<!tpu.dma_semaphore, #tpu.memory_space<semaphore_mem>>
      tpu.enqueue_indirect_dma source(%dma_start3A_577 : memref<1015808x64xf32, #tpu.memory_space<hbm>>) target(%dma_start3A_571 : memref<128x64xf32, #tpu.memory_space<vmem>>) offsets(%dma_start3A_574 : memref<128xi32, #tpu.memory_space<vmem>>) semaphore(%dma_start3A_579 : memref<!tpu.dma_semaphore, #tpu.memory_space<semaphore_mem>>)
    }
    %scan3A_132 = arith.constant 9 : i32
    %dma_wait3A = arith.constant 72 : i32
    %dma_wait3A_133 = arith.constant 0 : i32
    %dma_wait3A_134 = arith.constant 0 : i32
    %dma_wait3A_135 = arith.constant 0 : i32
    %dma_wait3A_136 = arith.constant 0 : i32
    %dma_wait3A_137 = tpu.memref_slice %arg6[%dma_wait3A_133, %dma_wait3A_135, %dma_wait3A_136] : memref<8x128x64xf32, #tpu.memory_space<vmem>> -> memref<1x128x64xf32, #tpu.memory_space<vmem>>
    %dma_wait3A_138 = tpu.memref_squeeze %dma_wait3A_137 : memref<1x128x64xf32, #tpu.memory_space<vmem>> -> memref<128x64xf32, #tpu.memory_space<vmem>>
    %dma_wait3A_139 = arith.constant 0 : i32
    %dma_wait3A_140 = tpu.memref_slice %arg5[%dma_wait3A, %dma_wait3A_139] : memref<80x128xi32, #tpu.memory_space<vmem>> -> memref<1x128xi32, #tpu.memory_space<vmem>>
    %dma_wait3A_141 = tpu.memref_squeeze %dma_wait3A_140 : memref<1x128xi32, #tpu.memory_space<vmem>> -> memref<128xi32, #tpu.memory_space<vmem>>
    %dma_wait3A_142 = arith.constant 0 : i32
    %dma_wait3A_143 = arith.constant 0 : i32
    %dma_wait3A_144 = tpu.memref_slice %arg3[%dma_wait3A_142, %dma_wait3A_143] : memref<1015808x64xf32, #tpu.memory_space<hbm>> -> memref<1015808x64xf32, #tpu.memory_space<hbm>>
    %dma_wait3A_145 = tpu.memref_slice %arg7[%dma_wait3A_134] : memref<8x!tpu.dma_semaphore, #tpu.memory_space<semaphore_mem>> -> memref<1x!tpu.dma_semaphore, #tpu.memory_space<semaphore_mem>>
    %dma_wait3A_146 = tpu.memref_squeeze %dma_wait3A_145 : memref<1x!tpu.dma_semaphore, #tpu.memory_space<semaphore_mem>> -> memref<!tpu.dma_semaphore, #tpu.memory_space<semaphore_mem>>
    tpu.wait_indirect_dma semaphore(%dma_wait3A_146 : memref<!tpu.dma_semaphore, #tpu.memory_space<semaphore_mem>>) src(%dma_wait3A_144 : memref<1015808x64xf32, #tpu.memory_space<hbm>>) dst(%dma_wait3A_138 : memref<128x64xf32, #tpu.memory_space<vmem>>)
    %add3A_147 = arith.constant 9216 : i32
    %add3A_148 = arith.addi %mul3A_2, %add3A_147 : i32
    %run_scoped3A = arith.constant 0 : i32
    "tpu.region"() ({
      %run_scoped3A_275 = tpu.sem_alloc : memref<!tpu.dma_semaphore, #tpu.memory_space<semaphore_mem>>
      %dma_start3A_276 = arith.constant 0 : i32
      %dma_start3A_277 = arith.constant 0 : i32
      %dma_start3A_278 = tpu.memref_slice %arg6[%run_scoped3A, %dma_start3A_276, %dma_start3A_277] : memref<8x128x64xf32, #tpu.memory_space<vmem>> -> memref<1x128x64xf32, #tpu.memory_space<vmem>>
      %dma_start3A_279 = tpu.memref_squeeze %dma_start3A_278 : memref<1x128x64xf32, #tpu.memory_space<vmem>> -> memref<128x64xf32, #tpu.memory_space<vmem>>
      %dma_start3A_280 = arith.constant 0 : i32
      %dma_start3A_281 = tpu.memref_slice %arg4[%add3A_148, %dma_start3A_280] : memref<327680x64xf32, #tpu.memory_space<hbm>> -> memref<128x64xf32, #tpu.memory_space<hbm>>
      %dma_start3A_282 = arith.constant 0 : i32
      %dma_start3A_283 = tpu.memref_slice %arg4[%add3A_148, %dma_start3A_282] : memref<327680x64xf32, #tpu.memory_space<hbm>> -> memref<128x64xf32, #tpu.memory_space<hbm>>
      %dma_start3A_284 = arith.constant 0 : i32
      %dma_start3A_285 = arith.constant 0 : i32
      %dma_start3A_286 = tpu.memref_slice %arg6[%run_scoped3A, %dma_start3A_284, %dma_start3A_285] : memref<8x128x64xf32, #tpu.memory_space<vmem>> -> memref<1x128x64xf32, #tpu.memory_space<vmem>>
      %dma_start3A_287 = tpu.memref_squeeze %dma_start3A_286 : memref<1x128x64xf32, #tpu.memory_space<vmem>> -> memref<128x64xf32, #tpu.memory_space<vmem>>
      tpu.enqueue_dma source(%dma_start3A_287 : memref<128x64xf32, #tpu.memory_space<vmem>>) target(%dma_start3A_283 : memref<128x64xf32, #tpu.memory_space<hbm>>) target_semaphore(%run_scoped3A_275 : memref<!tpu.dma_semaphore, #tpu.memory_space<semaphore_mem>>)
      %dma_wait3A_288 = arith.constant 0 : i32
      %dma_wait3A_289 = arith.constant 0 : i32
      %dma_wait3A_290 = tpu.memref_slice %arg6[%run_scoped3A, %dma_wait3A_288, %dma_wait3A_289] : memref<8x128x64xf32, #tpu.memory_space<vmem>> -> memref<1x128x64xf32, #tpu.memory_space<vmem>>
      %dma_wait3A_291 = tpu.memref_squeeze %dma_wait3A_290 : memref<1x128x64xf32, #tpu.memory_space<vmem>> -> memref<128x64xf32, #tpu.memory_space<vmem>>
      %dma_wait3A_292 = arith.constant 0 : i32
      %dma_wait3A_293 = tpu.memref_slice %arg4[%add3A_148, %dma_wait3A_292] : memref<327680x64xf32, #tpu.memory_space<hbm>> -> memref<128x64xf32, #tpu.memory_space<hbm>>
      %dma_wait3A_294 = arith.constant 0 : i32
      %dma_wait3A_295 = tpu.memref_slice %arg4[%add3A_148, %dma_wait3A_294] : memref<327680x64xf32, #tpu.memory_space<hbm>> -> memref<128x64xf32, #tpu.memory_space<hbm>>
      %dma_wait3A_296 = arith.constant 0 : i32
      %dma_wait3A_297 = arith.constant 0 : i32
      %dma_wait3A_298 = tpu.memref_slice %arg6[%run_scoped3A, %dma_wait3A_296, %dma_wait3A_297] : memref<8x128x64xf32, #tpu.memory_space<vmem>> -> memref<1x128x64xf32, #tpu.memory_space<vmem>>
      %dma_wait3A_299 = tpu.memref_squeeze %dma_wait3A_298 : memref<1x128x64xf32, #tpu.memory_space<vmem>> -> memref<128x64xf32, #tpu.memory_space<vmem>>
      tpu.wait_dma2 semaphore(%run_scoped3A_275 : memref<!tpu.dma_semaphore, #tpu.memory_space<semaphore_mem>>) src(%dma_wait3A_299 : memref<128x64xf32, #tpu.memory_space<vmem>>) dst(%dma_wait3A_295 : memref<128x64xf32, #tpu.memory_space<hbm>>)
      tpu.yield
    }) : () -> ()
    %dma_wait3A_149 = arith.constant 73 : i32
    %dma_wait3A_150 = arith.constant 1 : i32
    %dma_wait3A_151 = arith.constant 1 : i32
    %dma_wait3A_152 = arith.constant 0 : i32
    %dma_wait3A_153 = arith.constant 0 : i32
    %dma_wait3A_154 = tpu.memref_slice %arg6[%dma_wait3A_150, %dma_wait3A_152, %dma_wait3A_153] : memref<8x128x64xf32, #tpu.memory_space<vmem>> -> memref<1x128x64xf32, #tpu.memory_space<vmem>>
    %dma_wait3A_155 = tpu.memref_squeeze %dma_wait3A_154 : memref<1x128x64xf32, #tpu.memory_space<vmem>> -> memref<128x64xf32, #tpu.memory_space<vmem>>
    %dma_wait3A_156 = arith.constant 0 : i32
    %dma_wait3A_157 = tpu.memref_slice %arg5[%dma_wait3A_149, %dma_wait3A_156] : memref<80x128xi32, #tpu.memory_space<vmem>> -> memref<1x128xi32, #tpu.memory_space<vmem>>
    %dma_wait3A_158 = tpu.memref_squeeze %dma_wait3A_157 : memref<1x128xi32, #tpu.memory_space<vmem>> -> memref<128xi32, #tpu.memory_space<vmem>>
    %dma_wait3A_159 = arith.constant 0 : i32
    %dma_wait3A_160 = arith.constant 0 : i32
    %dma_wait3A_161 = tpu.memref_slice %arg3[%dma_wait3A_159, %dma_wait3A_160] : memref<1015808x64xf32, #tpu.memory_space<hbm>> -> memref<1015808x64xf32, #tpu.memory_space<hbm>>
    %dma_wait3A_162 = tpu.memref_slice %arg7[%dma_wait3A_151] : memref<8x!tpu.dma_semaphore, #tpu.memory_space<semaphore_mem>> -> memref<1x!tpu.dma_semaphore, #tpu.memory_space<semaphore_mem>>
    %dma_wait3A_163 = tpu.memref_squeeze %dma_wait3A_162 : memref<1x!tpu.dma_semaphore, #tpu.memory_space<semaphore_mem>> -> memref<!tpu.dma_semaphore, #tpu.memory_space<semaphore_mem>>
    tpu.wait_indirect_dma semaphore(%dma_wait3A_163 : memref<!tpu.dma_semaphore, #tpu.memory_space<semaphore_mem>>) src(%dma_wait3A_161 : memref<1015808x64xf32, #tpu.memory_space<hbm>>) dst(%dma_wait3A_155 : memref<128x64xf32, #tpu.memory_space<vmem>>)
    %add3A_164 = arith.constant 9344 : i32
    %add3A_165 = arith.addi %mul3A_2, %add3A_164 : i32
    %run_scoped3A_166 = arith.constant 1 : i32
    "tpu.region"() ({
      %run_scoped3A_275 = tpu.sem_alloc : memref<!tpu.dma_semaphore, #tpu.memory_space<semaphore_mem>>
      %dma_start3A_276 = arith.constant 0 : i32
      %dma_start3A_277 = arith.constant 0 : i32
      %dma_start3A_278 = tpu.memref_slice %arg6[%run_scoped3A_166, %dma_start3A_276, %dma_start3A_277] : memref<8x128x64xf32, #tpu.memory_space<vmem>> -> memref<1x128x64xf32, #tpu.memory_space<vmem>>
      %dma_start3A_279 = tpu.memref_squeeze %dma_start3A_278 : memref<1x128x64xf32, #tpu.memory_space<vmem>> -> memref<128x64xf32, #tpu.memory_space<vmem>>
      %dma_start3A_280 = arith.constant 0 : i32
      %dma_start3A_281 = tpu.memref_slice %arg4[%add3A_165, %dma_start3A_280] : memref<327680x64xf32, #tpu.memory_space<hbm>> -> memref<128x64xf32, #tpu.memory_space<hbm>>
      %dma_start3A_282 = arith.constant 0 : i32
      %dma_start3A_283 = tpu.memref_slice %arg4[%add3A_165, %dma_start3A_282] : memref<327680x64xf32, #tpu.memory_space<hbm>> -> memref<128x64xf32, #tpu.memory_space<hbm>>
      %dma_start3A_284 = arith.constant 0 : i32
      %dma_start3A_285 = arith.constant 0 : i32
      %dma_start3A_286 = tpu.memref_slice %arg6[%run_scoped3A_166, %dma_start3A_284, %dma_start3A_285] : memref<8x128x64xf32, #tpu.memory_space<vmem>> -> memref<1x128x64xf32, #tpu.memory_space<vmem>>
      %dma_start3A_287 = tpu.memref_squeeze %dma_start3A_286 : memref<1x128x64xf32, #tpu.memory_space<vmem>> -> memref<128x64xf32, #tpu.memory_space<vmem>>
      tpu.enqueue_dma source(%dma_start3A_287 : memref<128x64xf32, #tpu.memory_space<vmem>>) target(%dma_start3A_283 : memref<128x64xf32, #tpu.memory_space<hbm>>) target_semaphore(%run_scoped3A_275 : memref<!tpu.dma_semaphore, #tpu.memory_space<semaphore_mem>>)
      %dma_wait3A_288 = arith.constant 0 : i32
      %dma_wait3A_289 = arith.constant 0 : i32
      %dma_wait3A_290 = tpu.memref_slice %arg6[%run_scoped3A_166, %dma_wait3A_288, %dma_wait3A_289] : memref<8x128x64xf32, #tpu.memory_space<vmem>> -> memref<1x128x64xf32, #tpu.memory_space<vmem>>
      %dma_wait3A_291 = tpu.memref_squeeze %dma_wait3A_290 : memref<1x128x64xf32, #tpu.memory_space<vmem>> -> memref<128x64xf32, #tpu.memory_space<vmem>>
      %dma_wait3A_292 = arith.constant 0 : i32
      %dma_wait3A_293 = tpu.memref_slice %arg4[%add3A_165, %dma_wait3A_292] : memref<327680x64xf32, #tpu.memory_space<hbm>> -> memref<128x64xf32, #tpu.memory_space<hbm>>
      %dma_wait3A_294 = arith.constant 0 : i32
      %dma_wait3A_295 = tpu.memref_slice %arg4[%add3A_165, %dma_wait3A_294] : memref<327680x64xf32, #tpu.memory_space<hbm>> -> memref<128x64xf32, #tpu.memory_space<hbm>>
      %dma_wait3A_296 = arith.constant 0 : i32
      %dma_wait3A_297 = arith.constant 0 : i32
      %dma_wait3A_298 = tpu.memref_slice %arg6[%run_scoped3A_166, %dma_wait3A_296, %dma_wait3A_297] : memref<8x128x64xf32, #tpu.memory_space<vmem>> -> memref<1x128x64xf32, #tpu.memory_space<vmem>>
      %dma_wait3A_299 = tpu.memref_squeeze %dma_wait3A_298 : memref<1x128x64xf32, #tpu.memory_space<vmem>> -> memref<128x64xf32, #tpu.memory_space<vmem>>
      tpu.wait_dma2 semaphore(%run_scoped3A_275 : memref<!tpu.dma_semaphore, #tpu.memory_space<semaphore_mem>>) src(%dma_wait3A_299 : memref<128x64xf32, #tpu.memory_space<vmem>>) dst(%dma_wait3A_295 : memref<128x64xf32, #tpu.memory_space<hbm>>)
      tpu.yield
    }) : () -> ()
    %dma_wait3A_167 = arith.constant 74 : i32
    %dma_wait3A_168 = arith.constant 2 : i32
    %dma_wait3A_169 = arith.constant 2 : i32
    %dma_wait3A_170 = arith.constant 0 : i32
    %dma_wait3A_171 = arith.constant 0 : i32
    %dma_wait3A_172 = tpu.memref_slice %arg6[%dma_wait3A_168, %dma_wait3A_170, %dma_wait3A_171] : memref<8x128x64xf32, #tpu.memory_space<vmem>> -> memref<1x128x64xf32, #tpu.memory_space<vmem>>
    %dma_wait3A_173 = tpu.memref_squeeze %dma_wait3A_172 : memref<1x128x64xf32, #tpu.memory_space<vmem>> -> memref<128x64xf32, #tpu.memory_space<vmem>>
    %dma_wait3A_174 = arith.constant 0 : i32
    %dma_wait3A_175 = tpu.memref_slice %arg5[%dma_wait3A_167, %dma_wait3A_174] : memref<80x128xi32, #tpu.memory_space<vmem>> -> memref<1x128xi32, #tpu.memory_space<vmem>>
    %dma_wait3A_176 = tpu.memref_squeeze %dma_wait3A_175 : memref<1x128xi32, #tpu.memory_space<vmem>> -> memref<128xi32, #tpu.memory_space<vmem>>
    %dma_wait3A_177 = arith.constant 0 : i32
    %dma_wait3A_178 = arith.constant 0 : i32
    %dma_wait3A_179 = tpu.memref_slice %arg3[%dma_wait3A_177, %dma_wait3A_178] : memref<1015808x64xf32, #tpu.memory_space<hbm>> -> memref<1015808x64xf32, #tpu.memory_space<hbm>>
    %dma_wait3A_180 = tpu.memref_slice %arg7[%dma_wait3A_169] : memref<8x!tpu.dma_semaphore, #tpu.memory_space<semaphore_mem>> -> memref<1x!tpu.dma_semaphore, #tpu.memory_space<semaphore_mem>>
    %dma_wait3A_181 = tpu.memref_squeeze %dma_wait3A_180 : memref<1x!tpu.dma_semaphore, #tpu.memory_space<semaphore_mem>> -> memref<!tpu.dma_semaphore, #tpu.memory_space<semaphore_mem>>
    tpu.wait_indirect_dma semaphore(%dma_wait3A_181 : memref<!tpu.dma_semaphore, #tpu.memory_space<semaphore_mem>>) src(%dma_wait3A_179 : memref<1015808x64xf32, #tpu.memory_space<hbm>>) dst(%dma_wait3A_173 : memref<128x64xf32, #tpu.memory_space<vmem>>)
    %add3A_182 = arith.constant 9472 : i32
    %add3A_183 = arith.addi %mul3A_2, %add3A_182 : i32
    %run_scoped3A_184 = arith.constant 2 : i32
    "tpu.region"() ({
      %run_scoped3A_275 = tpu.sem_alloc : memref<!tpu.dma_semaphore, #tpu.memory_space<semaphore_mem>>
      %dma_start3A_276 = arith.constant 0 : i32
      %dma_start3A_277 = arith.constant 0 : i32
      %dma_start3A_278 = tpu.memref_slice %arg6[%run_scoped3A_184, %dma_start3A_276, %dma_start3A_277] : memref<8x128x64xf32, #tpu.memory_space<vmem>> -> memref<1x128x64xf32, #tpu.memory_space<vmem>>
      %dma_start3A_279 = tpu.memref_squeeze %dma_start3A_278 : memref<1x128x64xf32, #tpu.memory_space<vmem>> -> memref<128x64xf32, #tpu.memory_space<vmem>>
      %dma_start3A_280 = arith.constant 0 : i32
      %dma_start3A_281 = tpu.memref_slice %arg4[%add3A_183, %dma_start3A_280] : memref<327680x64xf32, #tpu.memory_space<hbm>> -> memref<128x64xf32, #tpu.memory_space<hbm>>
      %dma_start3A_282 = arith.constant 0 : i32
      %dma_start3A_283 = tpu.memref_slice %arg4[%add3A_183, %dma_start3A_282] : memref<327680x64xf32, #tpu.memory_space<hbm>> -> memref<128x64xf32, #tpu.memory_space<hbm>>
      %dma_start3A_284 = arith.constant 0 : i32
      %dma_start3A_285 = arith.constant 0 : i32
      %dma_start3A_286 = tpu.memref_slice %arg6[%run_scoped3A_184, %dma_start3A_284, %dma_start3A_285] : memref<8x128x64xf32, #tpu.memory_space<vmem>> -> memref<1x128x64xf32, #tpu.memory_space<vmem>>
      %dma_start3A_287 = tpu.memref_squeeze %dma_start3A_286 : memref<1x128x64xf32, #tpu.memory_space<vmem>> -> memref<128x64xf32, #tpu.memory_space<vmem>>
      tpu.enqueue_dma source(%dma_start3A_287 : memref<128x64xf32, #tpu.memory_space<vmem>>) target(%dma_start3A_283 : memref<128x64xf32, #tpu.memory_space<hbm>>) target_semaphore(%run_scoped3A_275 : memref<!tpu.dma_semaphore, #tpu.memory_space<semaphore_mem>>)
      %dma_wait3A_288 = arith.constant 0 : i32
      %dma_wait3A_289 = arith.constant 0 : i32
      %dma_wait3A_290 = tpu.memref_slice %arg6[%run_scoped3A_184, %dma_wait3A_288, %dma_wait3A_289] : memref<8x128x64xf32, #tpu.memory_space<vmem>> -> memref<1x128x64xf32, #tpu.memory_space<vmem>>
      %dma_wait3A_291 = tpu.memref_squeeze %dma_wait3A_290 : memref<1x128x64xf32, #tpu.memory_space<vmem>> -> memref<128x64xf32, #tpu.memory_space<vmem>>
      %dma_wait3A_292 = arith.constant 0 : i32
      %dma_wait3A_293 = tpu.memref_slice %arg4[%add3A_183, %dma_wait3A_292] : memref<327680x64xf32, #tpu.memory_space<hbm>> -> memref<128x64xf32, #tpu.memory_space<hbm>>
      %dma_wait3A_294 = arith.constant 0 : i32
      %dma_wait3A_295 = tpu.memref_slice %arg4[%add3A_183, %dma_wait3A_294] : memref<327680x64xf32, #tpu.memory_space<hbm>> -> memref<128x64xf32, #tpu.memory_space<hbm>>
      %dma_wait3A_296 = arith.constant 0 : i32
      %dma_wait3A_297 = arith.constant 0 : i32
      %dma_wait3A_298 = tpu.memref_slice %arg6[%run_scoped3A_184, %dma_wait3A_296, %dma_wait3A_297] : memref<8x128x64xf32, #tpu.memory_space<vmem>> -> memref<1x128x64xf32, #tpu.memory_space<vmem>>
      %dma_wait3A_299 = tpu.memref_squeeze %dma_wait3A_298 : memref<1x128x64xf32, #tpu.memory_space<vmem>> -> memref<128x64xf32, #tpu.memory_space<vmem>>
      tpu.wait_dma2 semaphore(%run_scoped3A_275 : memref<!tpu.dma_semaphore, #tpu.memory_space<semaphore_mem>>) src(%dma_wait3A_299 : memref<128x64xf32, #tpu.memory_space<vmem>>) dst(%dma_wait3A_295 : memref<128x64xf32, #tpu.memory_space<hbm>>)
      tpu.yield
    }) : () -> ()
    %dma_wait3A_185 = arith.constant 75 : i32
    %dma_wait3A_186 = arith.constant 3 : i32
    %dma_wait3A_187 = arith.constant 3 : i32
    %dma_wait3A_188 = arith.constant 0 : i32
    %dma_wait3A_189 = arith.constant 0 : i32
    %dma_wait3A_190 = tpu.memref_slice %arg6[%dma_wait3A_186, %dma_wait3A_188, %dma_wait3A_189] : memref<8x128x64xf32, #tpu.memory_space<vmem>> -> memref<1x128x64xf32, #tpu.memory_space<vmem>>
    %dma_wait3A_191 = tpu.memref_squeeze %dma_wait3A_190 : memref<1x128x64xf32, #tpu.memory_space<vmem>> -> memref<128x64xf32, #tpu.memory_space<vmem>>
    %dma_wait3A_192 = arith.constant 0 : i32
    %dma_wait3A_193 = tpu.memref_slice %arg5[%dma_wait3A_185, %dma_wait3A_192] : memref<80x128xi32, #tpu.memory_space<vmem>> -> memref<1x128xi32, #tpu.memory_space<vmem>>
    %dma_wait3A_194 = tpu.memref_squeeze %dma_wait3A_193 : memref<1x128xi32, #tpu.memory_space<vmem>> -> memref<128xi32, #tpu.memory_space<vmem>>
    %dma_wait3A_195 = arith.constant 0 : i32
    %dma_wait3A_196 = arith.constant 0 : i32
    %dma_wait3A_197 = tpu.memref_slice %arg3[%dma_wait3A_195, %dma_wait3A_196] : memref<1015808x64xf32, #tpu.memory_space<hbm>> -> memref<1015808x64xf32, #tpu.memory_space<hbm>>
    %dma_wait3A_198 = tpu.memref_slice %arg7[%dma_wait3A_187] : memref<8x!tpu.dma_semaphore, #tpu.memory_space<semaphore_mem>> -> memref<1x!tpu.dma_semaphore, #tpu.memory_space<semaphore_mem>>
    %dma_wait3A_199 = tpu.memref_squeeze %dma_wait3A_198 : memref<1x!tpu.dma_semaphore, #tpu.memory_space<semaphore_mem>> -> memref<!tpu.dma_semaphore, #tpu.memory_space<semaphore_mem>>
    tpu.wait_indirect_dma semaphore(%dma_wait3A_199 : memref<!tpu.dma_semaphore, #tpu.memory_space<semaphore_mem>>) src(%dma_wait3A_197 : memref<1015808x64xf32, #tpu.memory_space<hbm>>) dst(%dma_wait3A_191 : memref<128x64xf32, #tpu.memory_space<vmem>>)
    %add3A_200 = arith.constant 9600 : i32
    %add3A_201 = arith.addi %mul3A_2, %add3A_200 : i32
    %run_scoped3A_202 = arith.constant 3 : i32
    "tpu.region"() ({
      %run_scoped3A_275 = tpu.sem_alloc : memref<!tpu.dma_semaphore, #tpu.memory_space<semaphore_mem>>
      %dma_start3A_276 = arith.constant 0 : i32
      %dma_start3A_277 = arith.constant 0 : i32
      %dma_start3A_278 = tpu.memref_slice %arg6[%run_scoped3A_202, %dma_start3A_276, %dma_start3A_277] : memref<8x128x64xf32, #tpu.memory_space<vmem>> -> memref<1x128x64xf32, #tpu.memory_space<vmem>>
      %dma_start3A_279 = tpu.memref_squeeze %dma_start3A_278 : memref<1x128x64xf32, #tpu.memory_space<vmem>> -> memref<128x64xf32, #tpu.memory_space<vmem>>
      %dma_start3A_280 = arith.constant 0 : i32
      %dma_start3A_281 = tpu.memref_slice %arg4[%add3A_201, %dma_start3A_280] : memref<327680x64xf32, #tpu.memory_space<hbm>> -> memref<128x64xf32, #tpu.memory_space<hbm>>
      %dma_start3A_282 = arith.constant 0 : i32
      %dma_start3A_283 = tpu.memref_slice %arg4[%add3A_201, %dma_start3A_282] : memref<327680x64xf32, #tpu.memory_space<hbm>> -> memref<128x64xf32, #tpu.memory_space<hbm>>
      %dma_start3A_284 = arith.constant 0 : i32
      %dma_start3A_285 = arith.constant 0 : i32
      %dma_start3A_286 = tpu.memref_slice %arg6[%run_scoped3A_202, %dma_start3A_284, %dma_start3A_285] : memref<8x128x64xf32, #tpu.memory_space<vmem>> -> memref<1x128x64xf32, #tpu.memory_space<vmem>>
      %dma_start3A_287 = tpu.memref_squeeze %dma_start3A_286 : memref<1x128x64xf32, #tpu.memory_space<vmem>> -> memref<128x64xf32, #tpu.memory_space<vmem>>
      tpu.enqueue_dma source(%dma_start3A_287 : memref<128x64xf32, #tpu.memory_space<vmem>>) target(%dma_start3A_283 : memref<128x64xf32, #tpu.memory_space<hbm>>) target_semaphore(%run_scoped3A_275 : memref<!tpu.dma_semaphore, #tpu.memory_space<semaphore_mem>>)
      %dma_wait3A_288 = arith.constant 0 : i32
      %dma_wait3A_289 = arith.constant 0 : i32
      %dma_wait3A_290 = tpu.memref_slice %arg6[%run_scoped3A_202, %dma_wait3A_288, %dma_wait3A_289] : memref<8x128x64xf32, #tpu.memory_space<vmem>> -> memref<1x128x64xf32, #tpu.memory_space<vmem>>
      %dma_wait3A_291 = tpu.memref_squeeze %dma_wait3A_290 : memref<1x128x64xf32, #tpu.memory_space<vmem>> -> memref<128x64xf32, #tpu.memory_space<vmem>>
      %dma_wait3A_292 = arith.constant 0 : i32
      %dma_wait3A_293 = tpu.memref_slice %arg4[%add3A_201, %dma_wait3A_292] : memref<327680x64xf32, #tpu.memory_space<hbm>> -> memref<128x64xf32, #tpu.memory_space<hbm>>
      %dma_wait3A_294 = arith.constant 0 : i32
      %dma_wait3A_295 = tpu.memref_slice %arg4[%add3A_201, %dma_wait3A_294] : memref<327680x64xf32, #tpu.memory_space<hbm>> -> memref<128x64xf32, #tpu.memory_space<hbm>>
      %dma_wait3A_296 = arith.constant 0 : i32
      %dma_wait3A_297 = arith.constant 0 : i32
      %dma_wait3A_298 = tpu.memref_slice %arg6[%run_scoped3A_202, %dma_wait3A_296, %dma_wait3A_297] : memref<8x128x64xf32, #tpu.memory_space<vmem>> -> memref<1x128x64xf32, #tpu.memory_space<vmem>>
      %dma_wait3A_299 = tpu.memref_squeeze %dma_wait3A_298 : memref<1x128x64xf32, #tpu.memory_space<vmem>> -> memref<128x64xf32, #tpu.memory_space<vmem>>
      tpu.wait_dma2 semaphore(%run_scoped3A_275 : memref<!tpu.dma_semaphore, #tpu.memory_space<semaphore_mem>>) src(%dma_wait3A_299 : memref<128x64xf32, #tpu.memory_space<vmem>>) dst(%dma_wait3A_295 : memref<128x64xf32, #tpu.memory_space<hbm>>)
      tpu.yield
    }) : () -> ()
    %dma_wait3A_203 = arith.constant 76 : i32
    %dma_wait3A_204 = arith.constant 4 : i32
    %dma_wait3A_205 = arith.constant 4 : i32
    %dma_wait3A_206 = arith.constant 0 : i32
    %dma_wait3A_207 = arith.constant 0 : i32
    %dma_wait3A_208 = tpu.memref_slice %arg6[%dma_wait3A_204, %dma_wait3A_206, %dma_wait3A_207] : memref<8x128x64xf32, #tpu.memory_space<vmem>> -> memref<1x128x64xf32, #tpu.memory_space<vmem>>
    %dma_wait3A_209 = tpu.memref_squeeze %dma_wait3A_208 : memref<1x128x64xf32, #tpu.memory_space<vmem>> -> memref<128x64xf32, #tpu.memory_space<vmem>>
    %dma_wait3A_210 = arith.constant 0 : i32
    %dma_wait3A_211 = tpu.memref_slice %arg5[%dma_wait3A_203, %dma_wait3A_210] : memref<80x128xi32, #tpu.memory_space<vmem>> -> memref<1x128xi32, #tpu.memory_space<vmem>>
    %dma_wait3A_212 = tpu.memref_squeeze %dma_wait3A_211 : memref<1x128xi32, #tpu.memory_space<vmem>> -> memref<128xi32, #tpu.memory_space<vmem>>
    %dma_wait3A_213 = arith.constant 0 : i32
    %dma_wait3A_214 = arith.constant 0 : i32
    %dma_wait3A_215 = tpu.memref_slice %arg3[%dma_wait3A_213, %dma_wait3A_214] : memref<1015808x64xf32, #tpu.memory_space<hbm>> -> memref<1015808x64xf32, #tpu.memory_space<hbm>>
    %dma_wait3A_216 = tpu.memref_slice %arg7[%dma_wait3A_205] : memref<8x!tpu.dma_semaphore, #tpu.memory_space<semaphore_mem>> -> memref<1x!tpu.dma_semaphore, #tpu.memory_space<semaphore_mem>>
    %dma_wait3A_217 = tpu.memref_squeeze %dma_wait3A_216 : memref<1x!tpu.dma_semaphore, #tpu.memory_space<semaphore_mem>> -> memref<!tpu.dma_semaphore, #tpu.memory_space<semaphore_mem>>
    tpu.wait_indirect_dma semaphore(%dma_wait3A_217 : memref<!tpu.dma_semaphore, #tpu.memory_space<semaphore_mem>>) src(%dma_wait3A_215 : memref<1015808x64xf32, #tpu.memory_space<hbm>>) dst(%dma_wait3A_209 : memref<128x64xf32, #tpu.memory_space<vmem>>)
    %add3A_218 = arith.constant 9728 : i32
    %add3A_219 = arith.addi %mul3A_2, %add3A_218 : i32
    %run_scoped3A_220 = arith.constant 4 : i32
    "tpu.region"() ({
      %run_scoped3A_275 = tpu.sem_alloc : memref<!tpu.dma_semaphore, #tpu.memory_space<semaphore_mem>>
      %dma_start3A_276 = arith.constant 0 : i32
      %dma_start3A_277 = arith.constant 0 : i32
      %dma_start3A_278 = tpu.memref_slice %arg6[%run_scoped3A_220, %dma_start3A_276, %dma_start3A_277] : memref<8x128x64xf32, #tpu.memory_space<vmem>> -> memref<1x128x64xf32, #tpu.memory_space<vmem>>
      %dma_start3A_279 = tpu.memref_squeeze %dma_start3A_278 : memref<1x128x64xf32, #tpu.memory_space<vmem>> -> memref<128x64xf32, #tpu.memory_space<vmem>>
      %dma_start3A_280 = arith.constant 0 : i32
      %dma_start3A_281 = tpu.memref_slice %arg4[%add3A_219, %dma_start3A_280] : memref<327680x64xf32, #tpu.memory_space<hbm>> -> memref<128x64xf32, #tpu.memory_space<hbm>>
      %dma_start3A_282 = arith.constant 0 : i32
      %dma_start3A_283 = tpu.memref_slice %arg4[%add3A_219, %dma_start3A_282] : memref<327680x64xf32, #tpu.memory_space<hbm>> -> memref<128x64xf32, #tpu.memory_space<hbm>>
      %dma_start3A_284 = arith.constant 0 : i32
      %dma_start3A_285 = arith.constant 0 : i32
      %dma_start3A_286 = tpu.memref_slice %arg6[%run_scoped3A_220, %dma_start3A_284, %dma_start3A_285] : memref<8x128x64xf32, #tpu.memory_space<vmem>> -> memref<1x128x64xf32, #tpu.memory_space<vmem>>
      %dma_start3A_287 = tpu.memref_squeeze %dma_start3A_286 : memref<1x128x64xf32, #tpu.memory_space<vmem>> -> memref<128x64xf32, #tpu.memory_space<vmem>>
      tpu.enqueue_dma source(%dma_start3A_287 : memref<128x64xf32, #tpu.memory_space<vmem>>) target(%dma_start3A_283 : memref<128x64xf32, #tpu.memory_space<hbm>>) target_semaphore(%run_scoped3A_275 : memref<!tpu.dma_semaphore, #tpu.memory_space<semaphore_mem>>)
      %dma_wait3A_288 = arith.constant 0 : i32
      %dma_wait3A_289 = arith.constant 0 : i32
      %dma_wait3A_290 = tpu.memref_slice %arg6[%run_scoped3A_220, %dma_wait3A_288, %dma_wait3A_289] : memref<8x128x64xf32, #tpu.memory_space<vmem>> -> memref<1x128x64xf32, #tpu.memory_space<vmem>>
      %dma_wait3A_291 = tpu.memref_squeeze %dma_wait3A_290 : memref<1x128x64xf32, #tpu.memory_space<vmem>> -> memref<128x64xf32, #tpu.memory_space<vmem>>
      %dma_wait3A_292 = arith.constant 0 : i32
      %dma_wait3A_293 = tpu.memref_slice %arg4[%add3A_219, %dma_wait3A_292] : memref<327680x64xf32, #tpu.memory_space<hbm>> -> memref<128x64xf32, #tpu.memory_space<hbm>>
      %dma_wait3A_294 = arith.constant 0 : i32
      %dma_wait3A_295 = tpu.memref_slice %arg4[%add3A_219, %dma_wait3A_294] : memref<327680x64xf32, #tpu.memory_space<hbm>> -> memref<128x64xf32, #tpu.memory_space<hbm>>
      %dma_wait3A_296 = arith.constant 0 : i32
      %dma_wait3A_297 = arith.constant 0 : i32
      %dma_wait3A_298 = tpu.memref_slice %arg6[%run_scoped3A_220, %dma_wait3A_296, %dma_wait3A_297] : memref<8x128x64xf32, #tpu.memory_space<vmem>> -> memref<1x128x64xf32, #tpu.memory_space<vmem>>
      %dma_wait3A_299 = tpu.memref_squeeze %dma_wait3A_298 : memref<1x128x64xf32, #tpu.memory_space<vmem>> -> memref<128x64xf32, #tpu.memory_space<vmem>>
      tpu.wait_dma2 semaphore(%run_scoped3A_275 : memref<!tpu.dma_semaphore, #tpu.memory_space<semaphore_mem>>) src(%dma_wait3A_299 : memref<128x64xf32, #tpu.memory_space<vmem>>) dst(%dma_wait3A_295 : memref<128x64xf32, #tpu.memory_space<hbm>>)
      tpu.yield
    }) : () -> ()
    %dma_wait3A_221 = arith.constant 77 : i32
    %dma_wait3A_222 = arith.constant 5 : i32
    %dma_wait3A_223 = arith.constant 5 : i32
    %dma_wait3A_224 = arith.constant 0 : i32
    %dma_wait3A_225 = arith.constant 0 : i32
    %dma_wait3A_226 = tpu.memref_slice %arg6[%dma_wait3A_222, %dma_wait3A_224, %dma_wait3A_225] : memref<8x128x64xf32, #tpu.memory_space<vmem>> -> memref<1x128x64xf32, #tpu.memory_space<vmem>>
    %dma_wait3A_227 = tpu.memref_squeeze %dma_wait3A_226 : memref<1x128x64xf32, #tpu.memory_space<vmem>> -> memref<128x64xf32, #tpu.memory_space<vmem>>
    %dma_wait3A_228 = arith.constant 0 : i32
    %dma_wait3A_229 = tpu.memref_slice %arg5[%dma_wait3A_221, %dma_wait3A_228] : memref<80x128xi32, #tpu.memory_space<vmem>> -> memref<1x128xi32, #tpu.memory_space<vmem>>
    %dma_wait3A_230 = tpu.memref_squeeze %dma_wait3A_229 : memref<1x128xi32, #tpu.memory_space<vmem>> -> memref<128xi32, #tpu.memory_space<vmem>>
    %dma_wait3A_231 = arith.constant 0 : i32
    %dma_wait3A_232 = arith.constant 0 : i32
    %dma_wait3A_233 = tpu.memref_slice %arg3[%dma_wait3A_231, %dma_wait3A_232] : memref<1015808x64xf32, #tpu.memory_space<hbm>> -> memref<1015808x64xf32, #tpu.memory_space<hbm>>
    %dma_wait3A_234 = tpu.memref_slice %arg7[%dma_wait3A_223] : memref<8x!tpu.dma_semaphore, #tpu.memory_space<semaphore_mem>> -> memref<1x!tpu.dma_semaphore, #tpu.memory_space<semaphore_mem>>
    %dma_wait3A_235 = tpu.memref_squeeze %dma_wait3A_234 : memref<1x!tpu.dma_semaphore, #tpu.memory_space<semaphore_mem>> -> memref<!tpu.dma_semaphore, #tpu.memory_space<semaphore_mem>>
    tpu.wait_indirect_dma semaphore(%dma_wait3A_235 : memref<!tpu.dma_semaphore, #tpu.memory_space<semaphore_mem>>) src(%dma_wait3A_233 : memref<1015808x64xf32, #tpu.memory_space<hbm>>) dst(%dma_wait3A_227 : memref<128x64xf32, #tpu.memory_space<vmem>>)
    %add3A_236 = arith.constant 9856 : i32
    %add3A_237 = arith.addi %mul3A_2, %add3A_236 : i32
    %run_scoped3A_238 = arith.constant 5 : i32
    "tpu.region"() ({
      %run_scoped3A_275 = tpu.sem_alloc : memref<!tpu.dma_semaphore, #tpu.memory_space<semaphore_mem>>
      %dma_start3A_276 = arith.constant 0 : i32
      %dma_start3A_277 = arith.constant 0 : i32
      %dma_start3A_278 = tpu.memref_slice %arg6[%run_scoped3A_238, %dma_start3A_276, %dma_start3A_277] : memref<8x128x64xf32, #tpu.memory_space<vmem>> -> memref<1x128x64xf32, #tpu.memory_space<vmem>>
      %dma_start3A_279 = tpu.memref_squeeze %dma_start3A_278 : memref<1x128x64xf32, #tpu.memory_space<vmem>> -> memref<128x64xf32, #tpu.memory_space<vmem>>
      %dma_start3A_280 = arith.constant 0 : i32
      %dma_start3A_281 = tpu.memref_slice %arg4[%add3A_237, %dma_start3A_280] : memref<327680x64xf32, #tpu.memory_space<hbm>> -> memref<128x64xf32, #tpu.memory_space<hbm>>
      %dma_start3A_282 = arith.constant 0 : i32
      %dma_start3A_283 = tpu.memref_slice %arg4[%add3A_237, %dma_start3A_282] : memref<327680x64xf32, #tpu.memory_space<hbm>> -> memref<128x64xf32, #tpu.memory_space<hbm>>
      %dma_start3A_284 = arith.constant 0 : i32
      %dma_start3A_285 = arith.constant 0 : i32
      %dma_start3A_286 = tpu.memref_slice %arg6[%run_scoped3A_238, %dma_start3A_284, %dma_start3A_285] : memref<8x128x64xf32, #tpu.memory_space<vmem>> -> memref<1x128x64xf32, #tpu.memory_space<vmem>>
      %dma_start3A_287 = tpu.memref_squeeze %dma_start3A_286 : memref<1x128x64xf32, #tpu.memory_space<vmem>> -> memref<128x64xf32, #tpu.memory_space<vmem>>
      tpu.enqueue_dma source(%dma_start3A_287 : memref<128x64xf32, #tpu.memory_space<vmem>>) target(%dma_start3A_283 : memref<128x64xf32, #tpu.memory_space<hbm>>) target_semaphore(%run_scoped3A_275 : memref<!tpu.dma_semaphore, #tpu.memory_space<semaphore_mem>>)
      %dma_wait3A_288 = arith.constant 0 : i32
      %dma_wait3A_289 = arith.constant 0 : i32
      %dma_wait3A_290 = tpu.memref_slice %arg6[%run_scoped3A_238, %dma_wait3A_288, %dma_wait3A_289] : memref<8x128x64xf32, #tpu.memory_space<vmem>> -> memref<1x128x64xf32, #tpu.memory_space<vmem>>
      %dma_wait3A_291 = tpu.memref_squeeze %dma_wait3A_290 : memref<1x128x64xf32, #tpu.memory_space<vmem>> -> memref<128x64xf32, #tpu.memory_space<vmem>>
      %dma_wait3A_292 = arith.constant 0 : i32
      %dma_wait3A_293 = tpu.memref_slice %arg4[%add3A_237, %dma_wait3A_292] : memref<327680x64xf32, #tpu.memory_space<hbm>> -> memref<128x64xf32, #tpu.memory_space<hbm>>
      %dma_wait3A_294 = arith.constant 0 : i32
      %dma_wait3A_295 = tpu.memref_slice %arg4[%add3A_237, %dma_wait3A_294] : memref<327680x64xf32, #tpu.memory_space<hbm>> -> memref<128x64xf32, #tpu.memory_space<hbm>>
      %dma_wait3A_296 = arith.constant 0 : i32
      %dma_wait3A_297 = arith.constant 0 : i32
      %dma_wait3A_298 = tpu.memref_slice %arg6[%run_scoped3A_238, %dma_wait3A_296, %dma_wait3A_297] : memref<8x128x64xf32, #tpu.memory_space<vmem>> -> memref<1x128x64xf32, #tpu.memory_space<vmem>>
      %dma_wait3A_299 = tpu.memref_squeeze %dma_wait3A_298 : memref<1x128x64xf32, #tpu.memory_space<vmem>> -> memref<128x64xf32, #tpu.memory_space<vmem>>
      tpu.wait_dma2 semaphore(%run_scoped3A_275 : memref<!tpu.dma_semaphore, #tpu.memory_space<semaphore_mem>>) src(%dma_wait3A_299 : memref<128x64xf32, #tpu.memory_space<vmem>>) dst(%dma_wait3A_295 : memref<128x64xf32, #tpu.memory_space<hbm>>)
      tpu.yield
    }) : () -> ()
    %dma_wait3A_239 = arith.constant 78 : i32
    %dma_wait3A_240 = arith.constant 6 : i32
    %dma_wait3A_241 = arith.constant 6 : i32
    %dma_wait3A_242 = arith.constant 0 : i32
    %dma_wait3A_243 = arith.constant 0 : i32
    %dma_wait3A_244 = tpu.memref_slice %arg6[%dma_wait3A_240, %dma_wait3A_242, %dma_wait3A_243] : memref<8x128x64xf32, #tpu.memory_space<vmem>> -> memref<1x128x64xf32, #tpu.memory_space<vmem>>
    %dma_wait3A_245 = tpu.memref_squeeze %dma_wait3A_244 : memref<1x128x64xf32, #tpu.memory_space<vmem>> -> memref<128x64xf32, #tpu.memory_space<vmem>>
    %dma_wait3A_246 = arith.constant 0 : i32
    %dma_wait3A_247 = tpu.memref_slice %arg5[%dma_wait3A_239, %dma_wait3A_246] : memref<80x128xi32, #tpu.memory_space<vmem>> -> memref<1x128xi32, #tpu.memory_space<vmem>>
    %dma_wait3A_248 = tpu.memref_squeeze %dma_wait3A_247 : memref<1x128xi32, #tpu.memory_space<vmem>> -> memref<128xi32, #tpu.memory_space<vmem>>
    %dma_wait3A_249 = arith.constant 0 : i32
    %dma_wait3A_250 = arith.constant 0 : i32
    %dma_wait3A_251 = tpu.memref_slice %arg3[%dma_wait3A_249, %dma_wait3A_250] : memref<1015808x64xf32, #tpu.memory_space<hbm>> -> memref<1015808x64xf32, #tpu.memory_space<hbm>>
    %dma_wait3A_252 = tpu.memref_slice %arg7[%dma_wait3A_241] : memref<8x!tpu.dma_semaphore, #tpu.memory_space<semaphore_mem>> -> memref<1x!tpu.dma_semaphore, #tpu.memory_space<semaphore_mem>>
    %dma_wait3A_253 = tpu.memref_squeeze %dma_wait3A_252 : memref<1x!tpu.dma_semaphore, #tpu.memory_space<semaphore_mem>> -> memref<!tpu.dma_semaphore, #tpu.memory_space<semaphore_mem>>
    tpu.wait_indirect_dma semaphore(%dma_wait3A_253 : memref<!tpu.dma_semaphore, #tpu.memory_space<semaphore_mem>>) src(%dma_wait3A_251 : memref<1015808x64xf32, #tpu.memory_space<hbm>>) dst(%dma_wait3A_245 : memref<128x64xf32, #tpu.memory_space<vmem>>)
    %add3A_254 = arith.constant 9984 : i32
    %add3A_255 = arith.addi %mul3A_2, %add3A_254 : i32
    %run_scoped3A_256 = arith.constant 6 : i32
    "tpu.region"() ({
      %run_scoped3A_275 = tpu.sem_alloc : memref<!tpu.dma_semaphore, #tpu.memory_space<semaphore_mem>>
      %dma_start3A_276 = arith.constant 0 : i32
      %dma_start3A_277 = arith.constant 0 : i32
      %dma_start3A_278 = tpu.memref_slice %arg6[%run_scoped3A_256, %dma_start3A_276, %dma_start3A_277] : memref<8x128x64xf32, #tpu.memory_space<vmem>> -> memref<1x128x64xf32, #tpu.memory_space<vmem>>
      %dma_start3A_279 = tpu.memref_squeeze %dma_start3A_278 : memref<1x128x64xf32, #tpu.memory_space<vmem>> -> memref<128x64xf32, #tpu.memory_space<vmem>>
      %dma_start3A_280 = arith.constant 0 : i32
      %dma_start3A_281 = tpu.memref_slice %arg4[%add3A_255, %dma_start3A_280] : memref<327680x64xf32, #tpu.memory_space<hbm>> -> memref<128x64xf32, #tpu.memory_space<hbm>>
      %dma_start3A_282 = arith.constant 0 : i32
      %dma_start3A_283 = tpu.memref_slice %arg4[%add3A_255, %dma_start3A_282] : memref<327680x64xf32, #tpu.memory_space<hbm>> -> memref<128x64xf32, #tpu.memory_space<hbm>>
      %dma_start3A_284 = arith.constant 0 : i32
      %dma_start3A_285 = arith.constant 0 : i32
      %dma_start3A_286 = tpu.memref_slice %arg6[%run_scoped3A_256, %dma_start3A_284, %dma_start3A_285] : memref<8x128x64xf32, #tpu.memory_space<vmem>> -> memref<1x128x64xf32, #tpu.memory_space<vmem>>
      %dma_start3A_287 = tpu.memref_squeeze %dma_start3A_286 : memref<1x128x64xf32, #tpu.memory_space<vmem>> -> memref<128x64xf32, #tpu.memory_space<vmem>>
      tpu.enqueue_dma source(%dma_start3A_287 : memref<128x64xf32, #tpu.memory_space<vmem>>) target(%dma_start3A_283 : memref<128x64xf32, #tpu.memory_space<hbm>>) target_semaphore(%run_scoped3A_275 : memref<!tpu.dma_semaphore, #tpu.memory_space<semaphore_mem>>)
      %dma_wait3A_288 = arith.constant 0 : i32
      %dma_wait3A_289 = arith.constant 0 : i32
      %dma_wait3A_290 = tpu.memref_slice %arg6[%run_scoped3A_256, %dma_wait3A_288, %dma_wait3A_289] : memref<8x128x64xf32, #tpu.memory_space<vmem>> -> memref<1x128x64xf32, #tpu.memory_space<vmem>>
      %dma_wait3A_291 = tpu.memref_squeeze %dma_wait3A_290 : memref<1x128x64xf32, #tpu.memory_space<vmem>> -> memref<128x64xf32, #tpu.memory_space<vmem>>
      %dma_wait3A_292 = arith.constant 0 : i32
      %dma_wait3A_293 = tpu.memref_slice %arg4[%add3A_255, %dma_wait3A_292] : memref<327680x64xf32, #tpu.memory_space<hbm>> -> memref<128x64xf32, #tpu.memory_space<hbm>>
      %dma_wait3A_294 = arith.constant 0 : i32
      %dma_wait3A_295 = tpu.memref_slice %arg4[%add3A_255, %dma_wait3A_294] : memref<327680x64xf32, #tpu.memory_space<hbm>> -> memref<128x64xf32, #tpu.memory_space<hbm>>
      %dma_wait3A_296 = arith.constant 0 : i32
      %dma_wait3A_297 = arith.constant 0 : i32
      %dma_wait3A_298 = tpu.memref_slice %arg6[%run_scoped3A_256, %dma_wait3A_296, %dma_wait3A_297] : memref<8x128x64xf32, #tpu.memory_space<vmem>> -> memref<1x128x64xf32, #tpu.memory_space<vmem>>
      %dma_wait3A_299 = tpu.memref_squeeze %dma_wait3A_298 : memref<1x128x64xf32, #tpu.memory_space<vmem>> -> memref<128x64xf32, #tpu.memory_space<vmem>>
      tpu.wait_dma2 semaphore(%run_scoped3A_275 : memref<!tpu.dma_semaphore, #tpu.memory_space<semaphore_mem>>) src(%dma_wait3A_299 : memref<128x64xf32, #tpu.memory_space<vmem>>) dst(%dma_wait3A_295 : memref<128x64xf32, #tpu.memory_space<hbm>>)
      tpu.yield
    }) : () -> ()
    %dma_wait3A_257 = arith.constant 79 : i32
    %dma_wait3A_258 = arith.constant 7 : i32
    %dma_wait3A_259 = arith.constant 7 : i32
    %dma_wait3A_260 = arith.constant 0 : i32
    %dma_wait3A_261 = arith.constant 0 : i32
    %dma_wait3A_262 = tpu.memref_slice %arg6[%dma_wait3A_258, %dma_wait3A_260, %dma_wait3A_261] : memref<8x128x64xf32, #tpu.memory_space<vmem>> -> memref<1x128x64xf32, #tpu.memory_space<vmem>>
    %dma_wait3A_263 = tpu.memref_squeeze %dma_wait3A_262 : memref<1x128x64xf32, #tpu.memory_space<vmem>> -> memref<128x64xf32, #tpu.memory_space<vmem>>
    %dma_wait3A_264 = arith.constant 0 : i32
    %dma_wait3A_265 = tpu.memref_slice %arg5[%dma_wait3A_257, %dma_wait3A_264] : memref<80x128xi32, #tpu.memory_space<vmem>> -> memref<1x128xi32, #tpu.memory_space<vmem>>
    %dma_wait3A_266 = tpu.memref_squeeze %dma_wait3A_265 : memref<1x128xi32, #tpu.memory_space<vmem>> -> memref<128xi32, #tpu.memory_space<vmem>>
    %dma_wait3A_267 = arith.constant 0 : i32
    %dma_wait3A_268 = arith.constant 0 : i32
    %dma_wait3A_269 = tpu.memref_slice %arg3[%dma_wait3A_267, %dma_wait3A_268] : memref<1015808x64xf32, #tpu.memory_space<hbm>> -> memref<1015808x64xf32, #tpu.memory_space<hbm>>
    %dma_wait3A_270 = tpu.memref_slice %arg7[%dma_wait3A_259] : memref<8x!tpu.dma_semaphore, #tpu.memory_space<semaphore_mem>> -> memref<1x!tpu.dma_semaphore, #tpu.memory_space<semaphore_mem>>
    %dma_wait3A_271 = tpu.memref_squeeze %dma_wait3A_270 : memref<1x!tpu.dma_semaphore, #tpu.memory_space<semaphore_mem>> -> memref<!tpu.dma_semaphore, #tpu.memory_space<semaphore_mem>>
    tpu.wait_indirect_dma semaphore(%dma_wait3A_271 : memref<!tpu.dma_semaphore, #tpu.memory_space<semaphore_mem>>) src(%dma_wait3A_269 : memref<1015808x64xf32, #tpu.memory_space<hbm>>) dst(%dma_wait3A_263 : memref<128x64xf32, #tpu.memory_space<vmem>>)
    %add3A_272 = arith.constant 10112 : i32
    %add3A_273 = arith.addi %mul3A_2, %add3A_272 : i32
    %run_scoped3A_274 = arith.constant 7 : i32
    "tpu.region"() ({
      %run_scoped3A_275 = tpu.sem_alloc : memref<!tpu.dma_semaphore, #tpu.memory_space<semaphore_mem>>
      %dma_start3A_276 = arith.constant 0 : i32
      %dma_start3A_277 = arith.constant 0 : i32
      %dma_start3A_278 = tpu.memref_slice %arg6[%run_scoped3A_274, %dma_start3A_276, %dma_start3A_277] : memref<8x128x64xf32, #tpu.memory_space<vmem>> -> memref<1x128x64xf32, #tpu.memory_space<vmem>>
      %dma_start3A_279 = tpu.memref_squeeze %dma_start3A_278 : memref<1x128x64xf32, #tpu.memory_space<vmem>> -> memref<128x64xf32, #tpu.memory_space<vmem>>
      %dma_start3A_280 = arith.constant 0 : i32
      %dma_start3A_281 = tpu.memref_slice %arg4[%add3A_273, %dma_start3A_280] : memref<327680x64xf32, #tpu.memory_space<hbm>> -> memref<128x64xf32, #tpu.memory_space<hbm>>
      %dma_start3A_282 = arith.constant 0 : i32
      %dma_start3A_283 = tpu.memref_slice %arg4[%add3A_273, %dma_start3A_282] : memref<327680x64xf32, #tpu.memory_space<hbm>> -> memref<128x64xf32, #tpu.memory_space<hbm>>
      %dma_start3A_284 = arith.constant 0 : i32
      %dma_start3A_285 = arith.constant 0 : i32
      %dma_start3A_286 = tpu.memref_slice %arg6[%run_scoped3A_274, %dma_start3A_284, %dma_start3A_285] : memref<8x128x64xf32, #tpu.memory_space<vmem>> -> memref<1x128x64xf32, #tpu.memory_space<vmem>>
      %dma_start3A_287 = tpu.memref_squeeze %dma_start3A_286 : memref<1x128x64xf32, #tpu.memory_space<vmem>> -> memref<128x64xf32, #tpu.memory_space<vmem>>
      tpu.enqueue_dma source(%dma_start3A_287 : memref<128x64xf32, #tpu.memory_space<vmem>>) target(%dma_start3A_283 : memref<128x64xf32, #tpu.memory_space<hbm>>) target_semaphore(%run_scoped3A_275 : memref<!tpu.dma_semaphore, #tpu.memory_space<semaphore_mem>>)
      %dma_wait3A_288 = arith.constant 0 : i32
      %dma_wait3A_289 = arith.constant 0 : i32
      %dma_wait3A_290 = tpu.memref_slice %arg6[%run_scoped3A_274, %dma_wait3A_288, %dma_wait3A_289] : memref<8x128x64xf32, #tpu.memory_space<vmem>> -> memref<1x128x64xf32, #tpu.memory_space<vmem>>
      %dma_wait3A_291 = tpu.memref_squeeze %dma_wait3A_290 : memref<1x128x64xf32, #tpu.memory_space<vmem>> -> memref<128x64xf32, #tpu.memory_space<vmem>>
      %dma_wait3A_292 = arith.constant 0 : i32
      %dma_wait3A_293 = tpu.memref_slice %arg4[%add3A_273, %dma_wait3A_292] : memref<327680x64xf32, #tpu.memory_space<hbm>> -> memref<128x64xf32, #tpu.memory_space<hbm>>
      %dma_wait3A_294 = arith.constant 0 : i32
      %dma_wait3A_295 = tpu.memref_slice %arg4[%add3A_273, %dma_wait3A_294] : memref<327680x64xf32, #tpu.memory_space<hbm>> -> memref<128x64xf32, #tpu.memory_space<hbm>>
      %dma_wait3A_296 = arith.constant 0 : i32
      %dma_wait3A_297 = arith.constant 0 : i32
      %dma_wait3A_298 = tpu.memref_slice %arg6[%run_scoped3A_274, %dma_wait3A_296, %dma_wait3A_297] : memref<8x128x64xf32, #tpu.memory_space<vmem>> -> memref<1x128x64xf32, #tpu.memory_space<vmem>>
      %dma_wait3A_299 = tpu.memref_squeeze %dma_wait3A_298 : memref<1x128x64xf32, #tpu.memory_space<vmem>> -> memref<128x64xf32, #tpu.memory_space<vmem>>
      tpu.wait_dma2 semaphore(%run_scoped3A_275 : memref<!tpu.dma_semaphore, #tpu.memory_space<semaphore_mem>>) src(%dma_wait3A_299 : memref<128x64xf32, #tpu.memory_space<vmem>>) dst(%dma_wait3A_295 : memref<128x64xf32, #tpu.memory_space<hbm>>)
      tpu.yield
    }) : () -> ()
    return
  }
}

</mosaic_0001>

<sc_bundles>
// kernel: _emb_call.3.cloned.1.call-start
scs
__scs_entry_jumppad:
0x0: {  	(pc) =	sbr.rel $0x88, $3  }
0x1: {  	(tag) =	ssettag $0x0;
	lr =	simm.s32 $0x1  }
0x2: {  	[smem:$0x3F9F] =	sst lr;
	_ =	strace $0xD0000000  }
0x3: {  	_ = 	snop  }
0x4: {  	_ = 	snop  }
0x5: {  	_ = 	snop  }
0x6: {  	_ = 	snop  }
0x7: {  	_ = 	snop  }
__scs_overlays_trampoline_lowered:
0x8: {  	[smem:$0x3FAE] =	sst s0  }
0x9: {  	[smem:$0x3FAF] =	sst s1  }
0xa: {  	[smem:$0x3FB0] =	sst s2  }
0xb: {  	[smem:$0x3FB1] =	sst s3  }
0xc: {  	[smem:$0x3FB2] =	sst s4  }
0xd: {  	[smem:$0x3FB3] =	sst s5  }
0xe: {  	[smem:$0x3FB4] =	sst s6  }
0xf: {  	[smem:$0x3FB5] =	sst s7  }
0x10: {  	[smem:$0x3FB6] =	sst s8  }
0x11: {  	[smem:$0x3FB7] =	sst s9;
	s0 =	simm.s32 @!p0 $0x0  }
0x12: {  	s1 =	sld [smem:$0x3F9D];
	s0 =	simm.s32 @p0 $0x1  }
0x13: {  	[smem:$0x3FB8] =	sst s0;
	s0 =	simm.s32 @!p1 $0x0  }
0x14: {  	s2 =	sld [smem:$0x3F9C];
	s0 =	simm.s32 @p1 $0x1  }
0x15: {  	[smem:$0x3FB9] =	sst s0;
	s0 =	simm.s32 @!p2 $0x0  }
0x16: {  	s3 =	sld [smem:$0x3FDB];
	s0 =	simm.s32 @p2 $0x1  }
0x17: {  	s4 =	simm.s32 $0x1BF5;
	[smem:$0x3FBB] =	sst s0  }
0x18: {  	s0 =	sld [smem:$0x3F9E];
	_ =	swait.ge [sflag:s4], $0x0  }
0x19: {  	s7 =	sld [smem:$0x3F9F]  }
0x1a: {  	s8 =	sadd.s32 $0xFFFFE003, lr  }
0x1b: {  	s9 =	sadd.s32 $0xFFFFFEF7, lr;
	s5 =	simm.s32 $0xFFFFFFFF;
	p2 =	slt.u32 s8, $0xFFFFF086  }
0x1c: {  	p1 =	slt.u32 s9, $0xF7A;
	s5 =	simm.s32 @!p2 $0x0  }
0x1d: {  	s5 =	simm.s32 @p1 $0x1;
	p0 =	seq.s32 s7, s2  }
0x1e: {  	s7 =	smul.u32 @!p0 $0xF7A, s2;
	p2 =	seq.s32 @!p0 s5, $0x0  }
0x1f: {  	s9 =	smul.u32 $0xF7A, s1;
	s8 =	simm.s32 @!p0 $0x1BF5;
	p2 =	por !p2, p0  }
0x20: {  	[sflag:s8] =	ssyncset.s32 @!p0 $0xFFFFF086;
	s6 =	sadd.s32 @!p0 s3, s7;
	s7 =	simm.s32 @!p0 $0x108  }
0x21: {  	s3 =	sadd.s32 s3, s9;
	s6 =	sadd.s32 @!p0 $0x88, s6;
	s7 =	simm.s32 @p2 $0x1082  }
0x22: {  	[simem:s7], [sflag:s8] =	dma.local @!p0 [hbm:s6], $0xF7A  }
0x23: {  	s9 =	sor.u32 $0xD0000000, s2;
	s6 =	simm.s32 $0x108;
	_ =	swait.ge @!p0 [sflag:s8], $0x0  }
0x24: {  	s3 =	sadd.s32 $0x88, s3;
	s6 =	simm.s32 @!p1 $0x1082;
	[sflag:s4] =	ssyncset.s32 $0xFFFFF086  }
0x25: {  	[simem:s6], [sflag:s4] =	dma.local [hbm:s3], $0xF7A  }
0x26: {  	[smem:$0x3F9F] =	sst s1;
	(tag) =	ssettag s2;
	_ =	strace s9  }
0x27: {  	s1 =	sld [smem:$0x3FAF]  }
0x28: {  	s2 =	sld [smem:$0x3FB0]  }
0x29: {  	s4 =	sld [smem:$0x3FB2]  }
0x2a: {  	p0 =	seq.s32 s5, $0x0;
	s5 =	sld [smem:$0x3FB3]  }
0x2b: {  	s6 =	sld [smem:$0x3FB4]  }
0x2c: {  	s7 =	sld [smem:$0x3FB5]  }
0x2d: {  	s3 =	simm.s32 $0x108;
	s8 =	sld [smem:$0x3FB6]  }
0x2e: {  	s3 =	simm.s32 @!p0 $0x1082;
	s9 =	sld [smem:$0x3FB7]  }
0x2f: {  	lr =	sadd.s32 s0, s3;
	s0 =	sld [smem:$0x3FAE]  }
0x30: {  	s3 =	sld [smem:$0x3FB1]  }
0x31: {  	[smem:$0x3FBA] =	sst s10  }
0x32: {  	s10 =	sld [smem:$0x3FB8];
	_ =	sdelay $0x3  }
0x33: {  	p0 =	seq.s32 s10, $0x1;
	s10 =	sld [smem:$0x3FBA];
	_ =	sdelay $0x3  }
0x34: {  	[smem:$0x3FBA] =	sst s10  }
0x35: {  	s10 =	sld [smem:$0x3FB9];
	_ =	sdelay $0x3  }
0x36: {  	p1 =	seq.s32 s10, $0x1;
	s10 =	sld [smem:$0x3FBA];
	_ =	sdelay $0x3  }
0x37: {  	[smem:$0x3FBA] =	sst s10  }
0x38: {  	s10 =	sld [smem:$0x3FBB]  }
0x39: {  	_ = 	snop;
	(pc) =	sbr.ind lr, $3  }
0x3a: {  	_ = 	snop  }
0x3b: {  	_ = 	snop  }
0x3c: {  	p2 =	seq.s32 s10, $0x1;
	s10 =	sld [smem:$0x3FBA]  }
0x3d: {  	_ =	shalt  }
0x3e: {  	_ =	shalt  }
0x3f: {  	_ =	shalt  }
0x40: {  	_ =	shalt  }
0x41: {  	_ =	shalt  }
0x42: {  	_ =	shalt  }
0x43: {  	_ =	shalt  }
0x44: {  	_ =	shalt  }
0x45: {  	_ =	shalt  }
0x46: {  	_ =	shalt  }
0x47: {  	_ =	shalt  }
0x48: {  	_ =	shalt  }
0x49: {  	_ =	shalt  }
0x4a: {  	_ =	shalt  }
0x4b: {  	_ =	shalt  }
0x4c: {  	_ =	shalt  }
0x4d: {  	_ =	shalt  }
0x4e: {  	_ =	shalt  }
0x4f: {  	_ =	shalt  }
0x50: {  	_ =	shalt  }
0x51: {  	_ =	shalt  }
0x52: {  	_ =	shalt  }
0x53: {  	_ =	shalt  }
0x54: {  	_ =	shalt  }
0x55: {  	_ =	shalt  }
0x56: {  	_ =	shalt  }
0x57: {  	_ =	shalt  }
0x58: {  	_ =	shalt  }
0x59: {  	_ =	shalt  }
0x5a: {  	_ =	shalt  }
0x5b: {  	_ =	shalt  }
0x5c: {  	_ =	shalt  }
0x5d: {  	_ =	shalt  }
0x5e: {  	_ =	shalt  }
0x5f: {  	_ =	shalt  }
0x60: {  	_ =	shalt  }
0x61: {  	_ =	shalt  }
0x62: {  	_ =	shalt  }
0x63: {  	_ =	shalt  }
0x64: {  	_ =	shalt  }
0x65: {  	_ =	shalt  }
0x66: {  	_ =	shalt  }
0x67: {  	_ =	shalt  }
0x68: {  	_ =	shalt  }
0x69: {  	_ =	shalt  }
0x6a: {  	_ =	shalt  }
0x6b: {  	_ =	shalt  }
0x6c: {  	_ =	shalt  }
0x6d: {  	_ =	shalt  }
0x6e: {  	_ =	shalt  }
0x6f: {  	_ =	shalt  }
0x70: {  	_ =	shalt  }
0x71: {  	_ =	shalt  }
0x72: {  	_ =	shalt  }
0x73: {  	_ =	shalt  }
0x74: {  	_ =	shalt  }
0x75: {  	_ =	shalt  }
0x76: {  	_ =	shalt  }
0x77: {  	_ =	shalt  }
0x78: {  	_ =	shalt  }
0x79: {  	_ =	shalt  }
0x7a: {  	_ =	shalt  }
0x7b: {  	_ =	shalt  }
0x7c: {  	_ =	shalt  }
0x7d: {  	_ =	shalt  }
0x7e: {  	_ =	shalt  }
0x7f: {  	_ =	shalt  }
0x80: {  	_ =	shalt  }
0x81: {  	_ =	shalt  }
0x82: {  	_ =	shalt  }
0x83: {  	_ =	shalt  }
0x84: {  	_ =	shalt  }
0x85: {  	_ =	shalt  }
0x86: {  	_ =	shalt  }
0x87: {  	_ =	shalt  }
.Lfunc_end0:
.L_simem_size_0:
called_computation.1_lowered:
.L_overlay_start_0:
0x88: {  	s2 =	sld [smem:$0x3FD9]  }
0x89: {  	s3 =	sld [smem:$0x3FFE];
	_ =	sdelay $0x1  }
0x8a: {  	s1 =	srdreg.scid  }
0x8b: {  	s0 =	sand.u32 $0x1, s1  }
0x8c: {  	s17 =	sshll.u32 s0, $0xA;
	s2 =	sadd.s32 s3, s2  }
0x8d: {  	s2 =	sadd.s32 s2, s17  }
0x8e: {  	[smem:$0x3FC6] =	sst s2  }
0x8f: {  	_ = 	snop  }
0x90: {  	s2 =	sld [smem:$0x3FC9]  }
0x91: {  	s18 =	sld [smem:$0x3FD0];
	(tm) =	ssettm $0x1  }
0x92: {  	s4 =	sld [smem:$0x3FFB];
	_ =	sdelay $0x3  }
0x93: {  	_ =	strace s4  }
0x94: {  	s4 =	sld [smem:$0x3FFC];
	_ =	sdelay $0x3  }
0x95: {  	_ =	strace s4  }
0x96: {  	s4 =	sld [smem:$0x3FFD];
	_ =	sdelay $0x3  }
0x97: {  	_ =	strace s4  }
0x98: {  	_ =	strace $0x8FFFFFFF  }
0x99: {  	s19 =	sld [smem:$0x3FDB];
	_ =	sdelay $0x1  }
0x9a: {  	s5 =	simm.s32 $_scs_section_size  }
0x9b: {  	s6 =	simm.s32 $_size__tile_overlayer_lowered;
	s7 =	simm.s32 $_tile_overlayer_lowered  }
0x9c: {  	s22 =	simm.s32 $0x1BFF;
	s21 =	sshll.u32 s7, $0x1;
	s4 =	sadd.s32 s5, s19  }
0x9d: {  	s8 =	simm.s32 $0x0;
	s20 =	sshll.u32 s6, $0x1;
	s6 =	sadd.s32 s21, s4  }
0x9e: {  	[timem:s8], [sflag:s22] =	dma.local [hbm:s6], s20  }
0x9f: {  	_ =	swait.ge [sflag:s22], s20  }
0xa0: {  	s5 =	ssub.s32 $0x0, s20;
	[sflag:s22] =	ssyncset.done $0x0  }
0xa1: {  	[sflag:s22] =	ssyncadd.s32 s5;
	_ =	sdelay $0x1  }
0xa2: {  	s23 =	simm.s32 $0x1B8B  }
0xa3: {  	_ =	swait.ge [sflag:s23], $0x1  }
0xa4: {  	[sflag:s23] =	ssyncset.done $0x0  }
0xa5: {  	s25 =	simm.s32 $0x1B8E;
	s24 =	sld [smem:$0x3FFE];
	[sflag:s23] =	ssyncadd.s32 $0xFFFFFFFF  }
0xa6: {  	s26 =	simm.s32 $execute0_lowered;
	[smem:$0x3FD2] =	sst s25  }
0xa7: {  	s6 =	sshll.u32 s26, $0x1;
	_ =	strace $0x80000046;
	[dreg:$0x1] =	wrdreg $0xFFFFFFFF  }
0xa8: {  	s28 =	simm.s32 $_size_execute0_lowered;
	s4 =	sadd.s32 s4, s6;
	[dreg:$0x0] =	wrdreg $0x0  }
0xa9: {  	s6 =	sshll.u32 s28, $0x1;
	[dreg:$0x2] =	wrdreg s4  }
0xaa: {  	[dreg:$0x3] =	wrdreg s6  }
0xab: {  	[dreg:$0x4] =	wrdreg $0xC0  }
0xac: {  	_ =	task [dreg:s8], $0x5FFFF  }
0xad: {  	[dreg:$0x1] =	wrdreg $0xFFFFFFFF  }
0xae: {  	[dreg:$0x0] =	wrdreg $0x60  }
0xaf: {  	[dreg:$0x2] =	wrdreg s2  }
0xb0: {  	[dreg:$0x3] =	wrdreg s24  }
0xb1: {  	[dreg:$0x4] =	wrdreg s18  }
0xb2: {  	[dreg:$0x5] =	wrdreg $0x9  }
0xb3: {  	_ =	task.clear_ibuf [dreg:s8], $0x6FFFF;
	_ =	strace $0x90000046  }
0xb4: {  	s29 =	simm.s32 $0x9;
	_ =	strace $0x80000048  }
0xb5: {  	_ =	swait.ge [sflag:s29], $0x1  }
0xb6: {  	[sflag:s29] =	ssyncadd.s32 $0xFFFFFFFF  }
0xb7: {  	_ =	strace $0x90000048  }
0xb8: {  	_ =	sfence  }
0xb9: {  	s30 =	sld [smem:$0x0];
	_ =	sdelay $0x2  }
0xba: {  	s31 =	sshll.u32 s1, $0xD;
	s1 =	sshrl.u32 s1, $0x2  }
0xbb: {  	s3 =	sand.u32 $0x4000, s31;
	s1 =	sadd.s32 s1, s30  }
0xbc: {  	s0 =	sor.u32 s3, s0;
	s1 =	sshll.u32 s1, $0x11  }
0xbd: {  	s0 =	sor.u32 s1, s0  }
0xbe: {  	s0 =	sadd.s32 $0x8F2B, s0  }
0xbf: {  	[sflag:s0] =	ssyncadd.remote.s32 $0x1  }
0xc0: {  	_ =	sfence.sel $0xFFFF  }
0xc1: {  	[dreg:$0x0] =	wrdreg $0xFFFFFFFF;
	(pc) =	sbr.abs _section_cstart, $3  }
0xc2: {  	[dreg:$0x1] =	wrdreg $0xFFFFFFFF  }
0xc3: {  	_ =	task.clear_ibuf [dreg:s8], $0x2FFFF;
	_ =	strace $0x9FFFFFFF  }
0xc4: {  	(tm) =	ssettm $0x7FFFFFFF  }
0xc5: {  	_ =	shalt  }
tec
execute0_lowered:
.L_overlay_start_1:
0x0: {  	(tag) =	ssettag $0x1  }
0x1: {  	s0 =	srdreg.scid;
	s4 =	rddreg [dreg:$0x0]  }
0x2: {  	s10 =	stileid.u32;
	s3 =	rddreg [dreg:$0x1]  }
0x3: {  	s6 =	rddreg [dreg:$0x2];
	s2 =	simm.s32 $0x0;
	s14 =	simm.s32 $0x9  }
0x4: {  	s15 =	simm.s32 $0x80;
	s28 =	simm.s32 $0xE800;
	s7 =	smul.u32 $0x140000, s10  }
0x5: {  	s0 =	sand.u32 $0x1, s0;
	s1 =	sshll.u32 s10, $0x1;
	s10 =	smul.u32 $0x5000, s10  }
0x6: {  	s30 =	simm.s32 $0x10800;
	s1 =	sor.u32 s0, s1;
	s8 =	smul.u32 $0xA0000, s0  }
0x7: {  	s31 =	simm.s32 $0x1;
	s29 =	simm.s32 $0x0;
	s5 =	smul.u32 $0x2800, s1  }
0x8: {  	[smem:$0x7FF] =	sst s2;
	s3 =	sadd.s32 $0xF80800, s3;
	s1 =	smul.u32 $0xA0000, s1  }
0x9: {  	_ =	strace $0x80000047;
	s9 =	ssub.s32 $0x2, s0;
	s0 =	smul.u32 $0x2800, s0  }
0xa: {  	s11 =	sshrl.u32 s9, $0x1;
	s5 =	sshrl.u32 s5, $0x3;
	s1 =	sshrl.u32 s1, $0x3  }
0xb: {  	s13 =	ssub.s32 s9, s11;
	s4 =	sadd.s32 s4, s5;
	s1 =	sadd.s32 s6, s1  }
0xc: {  	s0 =	sadd.s32 s0, s10;
	[dreg:$0xc] =	wrdreg s4;
	s17 =	sadd.s32 $0x12000, s1  }
0xd: {  	s0 =	sshll.u32 s0, $0x3;
	s18 =	sadd.s32 $0x12400, s1;
	[dreg:$0xd] =	wrdreg s17  }
0xe: {  	s0 =	sadd.s32 s0, s6;
	s20 =	sadd.s32 $0x12800, s1;
	[dreg:$0xe] =	wrdreg s18  }
0xf: {  	s16 =	sadd.s32 s8, s7;
	s19 =	sadd.s32 $0x1C00, s0;
	[dreg:$0xf] =	wrdreg s20  }
0x10: {  	s13 =	smax.u32 s13, $0x1;
	s22 =	sadd.s32 $0x12C00, s1;
	[dreg:$0x5] =	wrdreg s19  }
0x11: {  	s4 =	sshrl.u32 s16, $0x3;
	s21 =	sadd.s32 $0x1800, s0;
	[dreg:$0x10] =	wrdreg s22  }
0x12: {  	s23 =	sadd.s32 $0x1400, s0;
	s9 =	sadd.s32 $0x13000, s1;
	[dreg:$0x6] =	wrdreg s21  }
0x13: {  	s24 =	sadd.s32 $0x1000, s0;
	s10 =	sadd.s32 $0x13400, s1;
	[dreg:$0x7] =	wrdreg s23  }
0x14: {  	s25 =	sadd.s32 $0xC00, s0;
	s11 =	sadd.s32 $0x13800, s1;
	[dreg:$0x8] =	wrdreg s24  }
0x15: {  	s26 =	sadd.s32 $0x800, s0;
	s12 =	sadd.s32 $0x13C00, s1;
	[dreg:$0x9] =	wrdreg s25  }
0x16: {  	s0 =	sadd.s32 $0x400, s0;
	s16 =	simm.s32 $0x2800;
	[dreg:$0xa] =	wrdreg s26  }
0x17: {  	s1 =	simm.s32 $0x2;
	s4 =	sadd.s32 s4, s6;
	[dreg:$0xb] =	wrdreg s0  }
0x18: {  	s17 =	simm.s32 $0x4800;
	s19 =	simm.s32 $0x6800;
	s21 =	simm.s32 $0x8800  }
0x19: {  	s23 =	simm.s32 $0xA800;
	s25 =	simm.s32 $0xC800;
	s0 =	simm.s32 $0x3  }
0x1a: {  	s18 =	simm.s32 $0x4;
	s20 =	simm.s32 $0x5;
	s22 =	simm.s32 $0x6  }
0x1b: {  	s24 =	simm.s32 $0x7;
	s26 =	simm.s32 $0x8;
	[dreg:$0x4] =	wrdreg s4  }
.LBB2_1:
0x1c: {  	s4 =	rddreg [dreg:$0xc]  }
0x1d: {  	[tilespmem:s2], [sflag:$0x9] =	stream.linear.gather [hbm4b:s4+s2], $0x2800, $0x38;
	[tilespmem:$0x12800] =	vst v63  }
0x1e: {  	s7 =	sand.u32 $0xFE00, s2;
	_ =	swait.ge [sflag:s14], $0x2800  }
0x1f: {  	s5 =	sand.u32 $0x70, s2;
	s4 =	sshrl.u32 s7, $0x2;
	[sflag:s14] =	ssyncset.done $0x0  }
0x20: {  	s4 =	sor.u32 s5, s4;
	[sflag:s14] =	ssyncadd.s32 $0xFFFFD800  }
0x21: {  	v0 =	vld [tilespmem:s4+$0x0];
	_ =	sdelay $0x4  }
0x22: {  	v1 =	vand.u32 $0x7FFF, v0  }
0x23: {  	s8 =	simm.s32 $0x40;
	v0 =	vadd.s32 v0, v1  }
0x24: {  	s6 =	simm.s32 $0x10;
	s7 =	sand.u32 $0xFE00, s8;
	s5 =	simm.s32 $0x80;
	vm0 =	vlt.u32 v1, $0x4000;
	v1 =	vadd.s32 $0xFFFF8001, v0  }
.LBB2_2:
0x25: {  	p0 =	sne.s32 s5, $0x9FC0;
	s8 =	sand.u32 $0x70, s6;
	s7 =	sshrl.u32 s7, $0x2;
	v0 =	vsel vm0, v0, v1  }
0x26: {  	[tilespmem:s4+$0x0] =	vst v0;
	s4 =	sor.u32 s8, s7  }
0x27: {  	v0 =	vld [tilespmem:s4+$0x0];
	_ =	sdelay $0x2  }
.Ltmp0:
0x28: {  	(pc) =	sbr.rel @p0 .LBB2_2-.Ltmp0, $4  }
0x29: {  	_ = 	snop  }
0x2a: {  	v1 =	vand.u32 $0x7FFF, v0  }
0x2b: {  	v0 =	vadd.s32 v0, v1  }
0x2c: {  	s6 =	sadd.s32 $0x10, s6;
	s7 =	sand.u32 $0xFE00, s5;
	s5 =	sadd.s32 $0x40, s5;
	vm0 =	vlt.u32 v1, $0x4000;
	v1 =	vadd.s32 $0xFFFF8001, v0  }
0x2d: {  	s5 =	sand.u32 $0x70, s6;
	s8 =	sshrl.u32 s7, $0x2;
	v0 =	vsel vm0, v0, v1  }
0x2e: {  	s5 =	sor.u32 s5, s8;
	[tilespmem:s4+$0x0] =	vst v0  }
0x2f: {  	v0 =	vld [tilespmem:s5+$0x0];
	_ =	sdelay $0x4  }
0x30: {  	v62 =	vand.u32 $0x7FFF, v0  }
0x31: {  	v0 =	vadd.s32 v0, v62  }
0x32: {  	vm15 =	vlt.u32 v62, $0x4000;
	v63 =	vadd.s32 $0xFFFF8001, v0  }
0x33: {  	v0 =	vsel vm15, v0, v63  }
0x34: {  	s7 =	simm.s32 $0x0;
	[tilespmem:s5+$0x0] =	vst v0  }
0x35: {  	[tilespmem:s16], [sflag:$0x1] =	stream.indirect.gather [hbm4b:s3+s15], $0x40, s7, s15, $0xb8;
	[tilespmem:$0x12800] =	vst v63  }
0x36: {  	_ = 	snop  }
0x37: {  	[tilespmem:s17], [sflag:$0x2] =	stream.indirect.gather [hbm4b:s3+s15], $0x40, s15, s15, $0xb8;
	[tilespmem:$0x12800] =	vst v63  }
0x38: {  	s8 =	simm.s32 $0x100  }
0x39: {  	[tilespmem:s19], [sflag:$0x3] =	stream.indirect.gather [hbm4b:s3+s15], $0x40, s8, s15, $0xb8;
	[tilespmem:$0x12800] =	vst v63  }
0x3a: {  	s5 =	simm.s32 $0x180  }
0x3b: {  	[tilespmem:s21], [sflag:$0x4] =	stream.indirect.gather [hbm4b:s3+s15], $0x40, s5, s15, $0xb8;
	[tilespmem:$0x12800] =	vst v63  }
0x3c: {  	s6 =	simm.s32 $0x200  }
0x3d: {  	[tilespmem:s23], [sflag:$0x5] =	stream.indirect.gather [hbm4b:s3+s15], $0x40, s6, s15, $0xb8;
	[tilespmem:$0x12800] =	vst v63  }
0x3e: {  	s7 =	simm.s32 $0x280  }
0x3f: {  	[tilespmem:s25], [sflag:$0x6] =	stream.indirect.gather [hbm4b:s3+s15], $0x40, s7, s15, $0xb8;
	[tilespmem:$0x12800] =	vst v63  }
0x40: {  	s8 =	simm.s32 $0x300  }
0x41: {  	[tilespmem:s28], [sflag:$0x7] =	stream.indirect.gather [hbm4b:s3+s15], $0x40, s8, s15, $0xb8;
	[tilespmem:$0x12800] =	vst v63  }
0x42: {  	s5 =	simm.s32 $0x380  }
0x43: {  	[tilespmem:s30], [sflag:$0x8] =	stream.indirect.gather [hbm4b:s3+s15], $0x40, s5, s15, $0xb8;
	[tilespmem:$0x12800] =	vst v63  }
0x44: {  	_ =	swait.ge [sflag:s31], $0x2000  }
0x45: {  	s6 =	rddreg [dreg:$0x4];
	[sflag:s31] =	ssyncset.done $0x0  }
0x46: {  	[sflag:s31] =	ssyncadd.s32 $0xFFFFE000;
	s4 =	sadd.s32 $0x0, s6  }
0x47: {  	[hbm4b:s4+s2] =	stream.linear.scatter [tilespmem:s16], [sflag:$0x9], $0x2000, $0x38;
	[tilespmem:$0x12800] =	vst v63  }
0x48: {  	_ =	swait.ge [sflag:s14], $0x2000  }
0x49: {  	[sflag:s14] =	ssyncset.done $0x0  }
0x4a: {  	s7 =	simm.s32 $0x400;
	[sflag:s14] =	ssyncadd.s32 $0xFFFFE000  }
0x4b: {  	[tilespmem:s16], [sflag:$0x1] =	stream.indirect.gather [hbm4b:s3+s15], $0x40, s7, s15, $0xb8;
	[tilespmem:$0x12800] =	vst v63  }
0x4c: {  	_ =	swait.ge [sflag:s1], $0x2000  }
0x4d: {  	s8 =	rddreg [dreg:$0xb];
	[sflag:s1] =	ssyncset.done $0x0  }
0x4e: {  	[sflag:s1] =	ssyncadd.s32 $0xFFFFE000;
	s4 =	sadd.s32 $0x0, s8  }
0x4f: {  	[hbm4b:s4+s2] =	stream.linear.scatter [tilespmem:s17], [sflag:$0x9], $0x2000, $0x38;
	[tilespmem:$0x12800] =	vst v63  }
0x50: {  	_ =	swait.ge [sflag:s14], $0x2000  }
0x51: {  	[sflag:s14] =	ssyncset.done $0x0  }
0x52: {  	s5 =	simm.s32 $0x480;
	[sflag:s14] =	ssyncadd.s32 $0xFFFFE000  }
0x53: {  	[tilespmem:s17], [sflag:$0x2] =	stream.indirect.gather [hbm4b:s3+s15], $0x40, s5, s15, $0xb8;
	[tilespmem:$0x12800] =	vst v63  }
0x54: {  	_ =	swait.ge [sflag:s0], $0x2000  }
0x55: {  	s6 =	rddreg [dreg:$0xa];
	[sflag:s0] =	ssyncset.done $0x0  }
0x56: {  	[sflag:s0] =	ssyncadd.s32 $0xFFFFE000;
	s4 =	sadd.s32 $0x0, s6  }
0x57: {  	[hbm4b:s4+s2] =	stream.linear.scatter [tilespmem:s19], [sflag:$0x9], $0x2000, $0x38;
	[tilespmem:$0x12800] =	vst v63  }
0x58: {  	_ =	swait.ge [sflag:s14], $0x2000  }
0x59: {  	[sflag:s14] =	ssyncset.done $0x0  }
0x5a: {  	s7 =	simm.s32 $0x500;
	[sflag:s14] =	ssyncadd.s32 $0xFFFFE000  }
0x5b: {  	[tilespmem:s19], [sflag:$0x3] =	stream.indirect.gather [hbm4b:s3+s15], $0x40, s7, s15, $0xb8;
	[tilespmem:$0x12800] =	vst v63  }
0x5c: {  	_ =	swait.ge [sflag:s18], $0x2000  }
0x5d: {  	s8 =	rddreg [dreg:$0x9];
	[sflag:s18] =	ssyncset.done $0x0  }
0x5e: {  	[sflag:s18] =	ssyncadd.s32 $0xFFFFE000;
	s4 =	sadd.s32 $0x0, s8  }
0x5f: {  	[hbm4b:s4+s2] =	stream.linear.scatter [tilespmem:s21], [sflag:$0x9], $0x2000, $0x38;
	[tilespmem:$0x12800] =	vst v63  }
0x60: {  	_ =	swait.ge [sflag:s14], $0x2000  }
0x61: {  	[sflag:s14] =	ssyncset.done $0x0  }
0x62: {  	s5 =	simm.s32 $0x580;
	[sflag:s14] =	ssyncadd.s32 $0xFFFFE000  }
0x63: {  	[tilespmem:s21], [sflag:$0x4] =	stream.indirect.gather [hbm4b:s3+s15], $0x40, s5, s15, $0xb8;
	[tilespmem:$0x12800] =	vst v63  }
0x64: {  	_ =	swait.ge [sflag:s20], $0x2000  }
0x65: {  	s6 =	rddreg [dreg:$0x8];
	[sflag:s20] =	ssyncset.done $0x0  }
0x66: {  	[sflag:s20] =	ssyncadd.s32 $0xFFFFE000;
	s4 =	sadd.s32 $0x0, s6  }
0x67: {  	[hbm4b:s4+s2] =	stream.linear.scatter [tilespmem:s23], [sflag:$0x9], $0x2000, $0x38;
	[tilespmem:$0x12800] =	vst v63  }
0x68: {  	_ =	swait.ge [sflag:s14], $0x2000  }
0x69: {  	[sflag:s14] =	ssyncset.done $0x0  }
0x6a: {  	s7 =	simm.s32 $0x600;
	[sflag:s14] =	ssyncadd.s32 $0xFFFFE000  }
0x6b: {  	[tilespmem:s23], [sflag:$0x5] =	stream.indirect.gather [hbm4b:s3+s15], $0x40, s7, s15, $0xb8;
	[tilespmem:$0x12800] =	vst v63  }
0x6c: {  	_ =	swait.ge [sflag:s22], $0x2000  }
0x6d: {  	s8 =	rddreg [dreg:$0x7];
	[sflag:s22] =	ssyncset.done $0x0  }
0x6e: {  	[sflag:s22] =	ssyncadd.s32 $0xFFFFE000;
	s4 =	sadd.s32 $0x0, s8  }
0x6f: {  	[hbm4b:s4+s2] =	stream.linear.scatter [tilespmem:s25], [sflag:$0x9], $0x2000, $0x38;
	[tilespmem:$0x12800] =	vst v63  }
0x70: {  	_ =	swait.ge [sflag:s14], $0x2000  }
0x71: {  	[sflag:s14] =	ssyncset.done $0x0  }
0x72: {  	s5 =	simm.s32 $0x680;
	[sflag:s14] =	ssyncadd.s32 $0xFFFFE000  }
0x73: {  	[tilespmem:s25], [sflag:$0x6] =	stream.indirect.gather [hbm4b:s3+s15], $0x40, s5, s15, $0xb8;
	[tilespmem:$0x12800] =	vst v63  }
0x74: {  	_ =	swait.ge [sflag:s24], $0x2000  }
0x75: {  	s6 =	rddreg [dreg:$0x6];
	[sflag:s24] =	ssyncset.done $0x0  }
0x76: {  	[sflag:s24] =	ssyncadd.s32 $0xFFFFE000;
	s4 =	sadd.s32 $0x0, s6  }
0x77: {  	[hbm4b:s4+s2] =	stream.linear.scatter [tilespmem:s28], [sflag:$0x9], $0x2000, $0x38;
	[tilespmem:$0x12800] =	vst v63  }
0x78: {  	_ =	swait.ge [sflag:s14], $0x2000  }
0x79: {  	[sflag:s14] =	ssyncset.done $0x0  }
0x7a: {  	s7 =	simm.s32 $0x700;
	[sflag:s14] =	ssyncadd.s32 $0xFFFFE000  }
0x7b: {  	[tilespmem:s28], [sflag:$0x7] =	stream.indirect.gather [hbm4b:s3+s15], $0x40, s7, s15, $0xb8;
	[tilespmem:$0x12800] =	vst v63  }
0x7c: {  	_ =	swait.ge [sflag:s26], $0x2000  }
0x7d: {  	s8 =	rddreg [dreg:$0x5];
	[sflag:s26] =	ssyncset.done $0x0  }
0x7e: {  	[sflag:s26] =	ssyncadd.s32 $0xFFFFE000;
	s4 =	sadd.s32 $0x0, s8  }
0x7f: {  	[hbm4b:s4+s2] =	stream.linear.scatter [tilespmem:s30], [sflag:$0x9], $0x2000, $0x38;
	[tilespmem:$0x12800] =	vst v63  }
0x80: {  	_ =	swait.ge [sflag:s14], $0x2000  }
0x81: {  	s5 =	simm.s32 $0x2000;
	[sflag:s14] =	ssyncset.done $0x0  }
0x82: {  	s6 =	simm.s32 $0xB80;
	s4 =	simm.s32 $0x780;
	[sflag:s14] =	ssyncadd.s32 $0xFFFFE000  }
.LBB2_4:
0x83: {  	[tilespmem:s30], [sflag:$0x8] =	stream.indirect.gather [hbm4b:s3+s15], $0x40, s4, s15, $0xb8;
	[tilespmem:$0x12800] =	vst v63  }
0x84: {  	_ =	swait.ge [sflag:s31], $0x2000  }
0x85: {  	s7 =	smov.u32 s5;
	s8 =	rddreg [dreg:$0x4];
	[sflag:s31] =	ssyncset.done $0x0  }
0x86: {  	[sflag:s31] =	ssyncadd.s32 $0xFFFFE000;
	s8 =	sadd.s32 s7, s8  }
0x87: {  	[hbm4b:s8+s2] =	stream.linear.scatter [tilespmem:s16], [sflag:$0x9], $0x2000, $0x38;
	[tilespmem:$0x12800] =	vst v63  }
0x88: {  	_ =	swait.ge [sflag:s14], $0x2000  }
0x89: {  	[sflag:s14] =	ssyncset.done $0x0  }
0x8a: {  	s8 =	sadd.s32 $0xFFFFFC80, s6;
	[sflag:s14] =	ssyncadd.s32 $0xFFFFE000  }
0x8b: {  	[tilespmem:s16], [sflag:$0x1] =	stream.indirect.gather [hbm4b:s3+s15], $0x40, s8, s15, $0xb8;
	[tilespmem:$0x12800] =	vst v63  }
0x8c: {  	_ =	swait.ge [sflag:s1], $0x2000  }
0x8d: {  	s8 =	rddreg [dreg:$0xb];
	[sflag:s1] =	ssyncset.done $0x0  }
0x8e: {  	[sflag:s1] =	ssyncadd.s32 $0xFFFFE000;
	s8 =	sadd.s32 s7, s8  }
0x8f: {  	[hbm4b:s8+s2] =	stream.linear.scatter [tilespmem:s17], [sflag:$0x9], $0x2000, $0x38;
	[tilespmem:$0x12800] =	vst v63  }
0x90: {  	_ =	swait.ge [sflag:s14], $0x2000  }
0x91: {  	[sflag:s14] =	ssyncset.done $0x0  }
0x92: {  	s8 =	sadd.s32 $0xFFFFFD00, s6;
	[sflag:s14] =	ssyncadd.s32 $0xFFFFE000  }
0x93: {  	[tilespmem:s17], [sflag:$0x2] =	stream.indirect.gather [hbm4b:s3+s15], $0x40, s8, s15, $0xb8;
	[tilespmem:$0x12800] =	vst v63  }
0x94: {  	_ =	swait.ge [sflag:s0], $0x2000  }
0x95: {  	s8 =	rddreg [dreg:$0xa];
	[sflag:s0] =	ssyncset.done $0x0  }
0x96: {  	[sflag:s0] =	ssyncadd.s32 $0xFFFFE000;
	s8 =	sadd.s32 s7, s8  }
0x97: {  	[hbm4b:s8+s2] =	stream.linear.scatter [tilespmem:s19], [sflag:$0x9], $0x2000, $0x38;
	[tilespmem:$0x12800] =	vst v63  }
0x98: {  	_ =	swait.ge [sflag:s14], $0x2000  }
0x99: {  	[sflag:s14] =	ssyncset.done $0x0  }
0x9a: {  	s8 =	sadd.s32 $0xFFFFFD80, s6;
	[sflag:s14] =	ssyncadd.s32 $0xFFFFE000  }
0x9b: {  	[tilespmem:s19], [sflag:$0x3] =	stream.indirect.gather [hbm4b:s3+s15], $0x40, s8, s15, $0xb8;
	[tilespmem:$0x12800] =	vst v63  }
0x9c: {  	_ =	swait.ge [sflag:s18], $0x2000  }
0x9d: {  	s8 =	rddreg [dreg:$0x9];
	[sflag:s18] =	ssyncset.done $0x0  }
0x9e: {  	[sflag:s18] =	ssyncadd.s32 $0xFFFFE000;
	s8 =	sadd.s32 s7, s8  }
0x9f: {  	[hbm4b:s8+s2] =	stream.linear.scatter [tilespmem:s21], [sflag:$0x9], $0x2000, $0x38;
	[tilespmem:$0x12800] =	vst v63  }
0xa0: {  	_ =	swait.ge [sflag:s14], $0x2000  }
0xa1: {  	[sflag:s14] =	ssyncset.done $0x0  }
0xa2: {  	s8 =	sadd.s32 $0xFFFFFE00, s6;
	[sflag:s14] =	ssyncadd.s32 $0xFFFFE000  }
0xa3: {  	[tilespmem:s21], [sflag:$0x4] =	stream.indirect.gather [hbm4b:s3+s15], $0x40, s8, s15, $0xb8;
	[tilespmem:$0x12800] =	vst v63  }
0xa4: {  	_ =	swait.ge [sflag:s20], $0x2000  }
0xa5: {  	s8 =	rddreg [dreg:$0x8];
	[sflag:s20] =	ssyncset.done $0x0  }
0xa6: {  	[sflag:s20] =	ssyncadd.s32 $0xFFFFE000;
	s8 =	sadd.s32 s7, s8  }
0xa7: {  	[hbm4b:s8+s2] =	stream.linear.scatter [tilespmem:s23], [sflag:$0x9], $0x2000, $0x38;
	[tilespmem:$0x12800] =	vst v63  }
0xa8: {  	_ =	swait.ge [sflag:s14], $0x2000  }
0xa9: {  	[sflag:s14] =	ssyncset.done $0x0  }
0xaa: {  	s8 =	sadd.s32 $0xFFFFFE80, s6;
	[sflag:s14] =	ssyncadd.s32 $0xFFFFE000  }
0xab: {  	[tilespmem:s23], [sflag:$0x5] =	stream.indirect.gather [hbm4b:s3+s15], $0x40, s8, s15, $0xb8;
	[tilespmem:$0x12800] =	vst v63  }
0xac: {  	_ =	swait.ge [sflag:s22], $0x2000  }
0xad: {  	s8 =	rddreg [dreg:$0x7];
	[sflag:s22] =	ssyncset.done $0x0  }
0xae: {  	[sflag:s22] =	ssyncadd.s32 $0xFFFFE000;
	s8 =	sadd.s32 s7, s8  }
0xaf: {  	[hbm4b:s8+s2] =	stream.linear.scatter [tilespmem:s25], [sflag:$0x9], $0x2000, $0x38;
	[tilespmem:$0x12800] =	vst v63  }
0xb0: {  	_ =	swait.ge [sflag:s14], $0x2000  }
0xb1: {  	[sflag:s14] =	ssyncset.done $0x0  }
0xb2: {  	s8 =	sadd.s32 $0xFFFFFF00, s6;
	[sflag:s14] =	ssyncadd.s32 $0xFFFFE000  }
0xb3: {  	[tilespmem:s25], [sflag:$0x6] =	stream.indirect.gather [hbm4b:s3+s15], $0x40, s8, s15, $0xb8;
	[tilespmem:$0x12800] =	vst v63  }
0xb4: {  	_ =	swait.ge [sflag:s24], $0x2000  }
0xb5: {  	s8 =	rddreg [dreg:$0x6];
	[sflag:s24] =	ssyncset.done $0x0  }
0xb6: {  	[sflag:s24] =	ssyncadd.s32 $0xFFFFE000;
	s8 =	sadd.s32 s7, s8  }
0xb7: {  	[hbm4b:s8+s2] =	stream.linear.scatter [tilespmem:s28], [sflag:$0x9], $0x2000, $0x38;
	[tilespmem:$0x12800] =	vst v63  }
0xb8: {  	_ =	swait.ge [sflag:s14], $0x2000  }
0xb9: {  	[sflag:s14] =	ssyncset.done $0x0  }
0xba: {  	s8 =	sadd.s32 $0xFFFFFF80, s6;
	[sflag:s14] =	ssyncadd.s32 $0xFFFFE000  }
0xbb: {  	[tilespmem:s28], [sflag:$0x7] =	stream.indirect.gather [hbm4b:s3+s15], $0x40, s8, s15, $0xb8;
	[tilespmem:$0x12800] =	vst v63  }
0xbc: {  	_ =	swait.ge [sflag:s26], $0x2000  }
0xbd: {  	p0 =	sne.s32 s5, $0x10000;
	s8 =	rddreg [dreg:$0x5];
	[sflag:s26] =	ssyncset.done $0x0  }
.Ltmp1:
0xbe: {  	[sflag:s26] =	ssyncadd.s32 $0xFFFFE000;
	s7 =	sadd.s32 s7, s8;
	(pc) =	sbr.rel @p0 .LBB2_4-.Ltmp1, $4  }
0xbf: {  	[hbm4b:s7+s2] =	stream.linear.scatter [tilespmem:s30], [sflag:$0x9], $0x2000, $0x38;
	[tilespmem:$0x12800] =	vst v63  }
0xc0: {  	_ =	swait.ge [sflag:s14], $0x2000  }
0xc1: {  	s4 =	smov.u32 s6;
	[sflag:s14] =	ssyncset.done $0x0  }
0xc2: {  	s5 =	sadd.s32 $0x2000, s5;
	s6 =	sadd.s32 $0x400, s6;
	[sflag:s14] =	ssyncadd.s32 $0xFFFFE000  }
0xc3: {  	[tilespmem:s30], [sflag:$0x8] =	stream.indirect.gather [hbm4b:s3+s15], $0x40, s4, s15, $0xb8;
	[tilespmem:$0x12800] =	vst v63  }
0xc4: {  	_ =	swait.ge [sflag:s31], $0x2000  }
0xc5: {  	[sflag:s31] =	ssyncset.done $0x0  }
0xc6: {  	s5 =	rddreg [dreg:$0xd];
	[sflag:s31] =	ssyncadd.s32 $0xFFFFE000  }
0xc7: {  	[hbm4b:s5+s2] =	stream.linear.scatter [tilespmem:s16], [sflag:$0x9], $0x2000, $0x38;
	[tilespmem:$0x12800] =	vst v63  }
0xc8: {  	_ =	swait.ge [sflag:s14], $0x2000  }
0xc9: {  	[sflag:s14] =	ssyncset.done $0x0  }
0xca: {  	[sflag:s14] =	ssyncadd.s32 $0xFFFFE000  }
0xcb: {  	_ =	swait.ge [sflag:s1], $0x2000  }
0xcc: {  	[sflag:s1] =	ssyncset.done $0x0  }
0xcd: {  	s6 =	rddreg [dreg:$0xe];
	[sflag:s1] =	ssyncadd.s32 $0xFFFFE000  }
0xce: {  	[hbm4b:s6+s2] =	stream.linear.scatter [tilespmem:s17], [sflag:$0x9], $0x2000, $0x38;
	[tilespmem:$0x12800] =	vst v63  }
0xcf: {  	_ =	swait.ge [sflag:s14], $0x2000  }
0xd0: {  	[sflag:s14] =	ssyncset.done $0x0  }
0xd1: {  	[sflag:s14] =	ssyncadd.s32 $0xFFFFE000  }
0xd2: {  	_ =	swait.ge [sflag:s0], $0x2000  }
0xd3: {  	[sflag:s0] =	ssyncset.done $0x0  }
0xd4: {  	s7 =	rddreg [dreg:$0xf];
	[sflag:s0] =	ssyncadd.s32 $0xFFFFE000  }
0xd5: {  	[hbm4b:s7+s2] =	stream.linear.scatter [tilespmem:s19], [sflag:$0x9], $0x2000, $0x38;
	[tilespmem:$0x12800] =	vst v63  }
0xd6: {  	_ =	swait.ge [sflag:s14], $0x2000  }
0xd7: {  	[sflag:s14] =	ssyncset.done $0x0  }
0xd8: {  	[sflag:s14] =	ssyncadd.s32 $0xFFFFE000  }
0xd9: {  	_ =	swait.ge [sflag:s18], $0x2000  }
0xda: {  	[sflag:s18] =	ssyncset.done $0x0  }
0xdb: {  	s8 =	rddreg [dreg:$0x10];
	[sflag:s18] =	ssyncadd.s32 $0xFFFFE000  }
0xdc: {  	[hbm4b:s8+s2] =	stream.linear.scatter [tilespmem:s21], [sflag:$0x9], $0x2000, $0x38;
	[tilespmem:$0x12800] =	vst v63  }
0xdd: {  	_ =	swait.ge [sflag:s14], $0x2000  }
0xde: {  	[sflag:s14] =	ssyncset.done $0x0  }
0xdf: {  	[sflag:s14] =	ssyncadd.s32 $0xFFFFE000  }
0xe0: {  	_ =	swait.ge [sflag:s20], $0x2000  }
0xe1: {  	[sflag:s20] =	ssyncset.done $0x0  }
0xe2: {  	[sflag:s20] =	ssyncadd.s32 $0xFFFFE000  }
0xe3: {  	[hbm4b:s9+s2] =	stream.linear.scatter [tilespmem:s23], [sflag:$0x9], $0x2000, $0x38;
	[tilespmem:$0x12800] =	vst v63  }
0xe4: {  	_ =	swait.ge [sflag:s14], $0x2000  }
0xe5: {  	[sflag:s14] =	ssyncset.done $0x0  }
0xe6: {  	[sflag:s14] =	ssyncadd.s32 $0xFFFFE000  }
0xe7: {  	_ =	swait.ge [sflag:s22], $0x2000  }
0xe8: {  	[sflag:s22] =	ssyncset.done $0x0  }
0xe9: {  	[sflag:s22] =	ssyncadd.s32 $0xFFFFE000  }
0xea: {  	[hbm4b:s10+s2] =	stream.linear.scatter [tilespmem:s25], [sflag:$0x9], $0x2000, $0x38;
	[tilespmem:$0x12800] =	vst v63  }
0xeb: {  	_ =	swait.ge [sflag:s14], $0x2000  }
0xec: {  	[sflag:s14] =	ssyncset.done $0x0  }
0xed: {  	[sflag:s14] =	ssyncadd.s32 $0xFFFFE000  }
0xee: {  	_ =	swait.ge [sflag:s24], $0x2000  }
0xef: {  	[sflag:s24] =	ssyncset.done $0x0  }
0xf0: {  	[sflag:s24] =	ssyncadd.s32 $0xFFFFE000  }
0xf1: {  	[hbm4b:s11+s2] =	stream.linear.scatter [tilespmem:s28], [sflag:$0x9], $0x2000, $0x38;
	[tilespmem:$0x12800] =	vst v63  }
0xf2: {  	_ =	swait.ge [sflag:s14], $0x2000  }
0xf3: {  	[sflag:s14] =	ssyncset.done $0x0  }
0xf4: {  	[sflag:s14] =	ssyncadd.s32 $0xFFFFE000  }
0xf5: {  	s29 =	sadd.s32 $0x1, s29;
	_ =	swait.ge [sflag:s26], $0x2000  }
0xf6: {  	p0 =	sne.s32 s29, s13;
	[sflag:s26] =	ssyncset.done $0x0  }
.Ltmp2:
0xf7: {  	[sflag:s26] =	ssyncadd.s32 $0xFFFFE000;
	(pc) =	sbr.rel @p0 .LBB2_1-.Ltmp2, $4  }
0xf8: {  	[hbm4b:s12+s2] =	stream.linear.scatter [tilespmem:s30], [sflag:$0x9], $0x2000, $0x38;
	[tilespmem:$0x12800] =	vst v63  }
0xf9: {  	_ =	swait.ge [sflag:s14], $0x2000  }
0xfa: {  	[sflag:s14] =	ssyncset.done $0x0  }
0xfb: {  	[sflag:s14] =	ssyncadd.s32 $0xFFFFE000  }
0xfc: {  	_ =	sfence.sel $0x180000  }
0xfd: {  	[bflag:$0x0] =	sbarrier.arrive $0xFFFF  }
0xfe: {  	_ =	strace $0x90000047  }
0xff: {  	s0 =	stileid.u32;
	[bflag:$0x2] =	sbarrier.arrive $0xFFFF  }
0x100: {  	p0 =	sne.s32 s0, $0x0;
	s0 =	rddreg [dreg:$0x3]  }
0x101: {  	s0 =	sadd.s32 @!p0 $0x100000, s0  }
0x102: {  	[sflag:s0] =	ssyncadd.tile.s32 @!p0 $0x1;
	_ =	shalt  }
.Lfunc_end2:
_tile_overlayer_lowered:
.L_overlay_start_2:
0x103: {  	(tag) =	ssettag $0x2  }
0x104: {  	s0 =	rddreg [dreg:$0x0];
	s2 =	stileid.u32  }
0x105: {  	s1 =	rddreg [dreg:$0x1];
	p0 =	sne.s32 s2, $0x0  }
0x106: {  	s3 =	rddreg [dreg:$0x2];
	[bflag:$0x3] =	sbarrier.arrive $0xFFFF;
	s2 =	simm.s32 @!p0 $0x1C09  }
0x107: {  	[timem:s3], [sflag:s2] =	dma.local @!p0 [hbm:s0], s1  }
0x108: {  	s0 =	simm.s32 @!p0 $0x9  }
0x109: {  	_ =	swait.ge @!p0 [sflag:s0], s1  }
0x10a: {  	s1 =	ssub.s32 @!p0 $0x0, s1;
	[sflag:s0] =	ssyncset.done @!p0 $0x0  }
0x10b: {  	[sflag:s0] =	ssyncadd.s32 @!p0 s1  }
0x10c: {  	[bflag:$0x3] =	sbarrier.arrive $0xFFFF  }
0x10d: {  	_ =	shalt  }

// kernel: sparse-core-data-format-call.cloned.1.call-start
scs
called_computation_lowered:
.L_overlay_start_0:
0x0: {  	s2 =	sld [smem:$0x3FD9]  }
0x1: {  	s3 =	sld [smem:$0x3FFE];
	_ =	sdelay $0x1  }
0x2: {  	s1 =	srdreg.scid  }
0x3: {  	s0 =	sand.u32 $0x1, s1  }
0x4: {  	s18 =	sshll.u32 s0, $0xA;
	s2 =	sadd.s32 s3, s2  }
0x5: {  	s2 =	sadd.s32 s2, s18  }
0x6: {  	[smem:$0x3FC6] =	sst s2  }
0x7: {  	_ = 	snop  }
0x8: {  	s2 =	sld [smem:$0x3FD0];
	(tm) =	ssettm $0x1  }
0x9: {  	s19 =	sld [smem:$0x3FFB];
	_ =	sdelay $0x3  }
0xa: {  	_ =	strace s19  }
0xb: {  	s3 =	sld [smem:$0x3FFC];
	_ =	sdelay $0x3  }
0xc: {  	_ =	strace s3  }
0xd: {  	s3 =	sld [smem:$0x3FFD];
	_ =	sdelay $0x3  }
0xe: {  	_ =	strace s3  }
0xf: {  	_ =	strace $0x8FFFFFFF  }
0x10: {  	s20 =	sld [smem:$0x3FDB];
	_ =	sdelay $0x1  }
0x11: {  	s4 =	simm.s32 $_scs_section_size  }
0x12: {  	s5 =	simm.s32 $_size__tile_overlayer_lowered;
	s6 =	simm.s32 $_tile_overlayer_lowered  }
0x13: {  	s23 =	simm.s32 $0x1BFF;
	s22 =	sshll.u32 s6, $0x1;
	s3 =	sadd.s32 s4, s20  }
0x14: {  	s7 =	simm.s32 $0x0;
	s21 =	sshll.u32 s5, $0x1;
	s5 =	sadd.s32 s22, s3  }
0x15: {  	[timem:s7], [sflag:s23] =	dma.local [hbm:s5], s21  }
0x16: {  	_ =	swait.ge [sflag:s23], s21  }
0x17: {  	s4 =	ssub.s32 $0x0, s21;
	[sflag:s23] =	ssyncset.done $0x0  }
0x18: {  	[sflag:s23] =	ssyncadd.s32 s4;
	_ =	sdelay $0x1  }
0x19: {  	s24 =	simm.s32 $0x1B8B  }
0x1a: {  	_ =	swait.ge [sflag:s24], $0x1  }
0x1b: {  	[sflag:s24] =	ssyncset.done $0x0  }
0x1c: {  	s26 =	simm.s32 $0x1B8E;
	s25 =	sld [smem:$0x3FFE];
	[sflag:s24] =	ssyncadd.s32 $0xFFFFFFFF  }
0x1d: {  	s27 =	simm.s32 $execute0_lowered;
	[smem:$0x3FD2] =	sst s26  }
0x1e: {  	s5 =	sshll.u32 s27, $0x1;
	_ =	strace $0x80000049;
	[dreg:$0x1] =	wrdreg $0xFFFFFFFF  }
0x1f: {  	s28 =	simm.s32 $_size_execute0_lowered;
	s3 =	sadd.s32 s3, s5;
	[dreg:$0x0] =	wrdreg $0x0  }
0x20: {  	s5 =	sshll.u32 s28, $0x1;
	[dreg:$0x2] =	wrdreg s3  }
0x21: {  	[dreg:$0x3] =	wrdreg s5  }
0x22: {  	[dreg:$0x4] =	wrdreg $0xC0  }
0x23: {  	_ =	task [dreg:s7], $0x5FFFF  }
0x24: {  	[dreg:$0x1] =	wrdreg $0xFFFFFFFF  }
0x25: {  	[dreg:$0x0] =	wrdreg $0x60  }
0x26: {  	[dreg:$0x2] =	wrdreg s25  }
0x27: {  	[dreg:$0x3] =	wrdreg s2  }
0x28: {  	[dreg:$0x4] =	wrdreg $0x9  }
0x29: {  	_ =	task.clear_ibuf [dreg:s7], $0x5FFFF;
	_ =	strace $0x90000049  }
0x2a: {  	s29 =	simm.s32 $0x9;
	_ =	strace $0x8000004B  }
0x2b: {  	_ =	swait.ge [sflag:s29], $0x1  }
0x2c: {  	[sflag:s29] =	ssyncadd.s32 $0xFFFFFFFF  }
0x2d: {  	_ =	strace $0x9000004B  }
0x2e: {  	_ =	sfence  }
0x2f: {  	s30 =	sld [smem:$0x0];
	_ =	sdelay $0x2  }
0x30: {  	s31 =	sshll.u32 s1, $0xD;
	s1 =	sshrl.u32 s1, $0x2  }
0x31: {  	s3 =	sand.u32 $0x4000, s31;
	s1 =	sadd.s32 s1, s30  }
0x32: {  	s0 =	sor.u32 s3, s0;
	s1 =	sshll.u32 s1, $0x11  }
0x33: {  	s0 =	sor.u32 s1, s0  }
0x34: {  	s0 =	sadd.s32 $0x8F2B, s0  }
0x35: {  	[sflag:s0] =	ssyncadd.remote.s32 $0x1  }
0x36: {  	_ =	sfence.sel $0xFFFF  }
0x37: {  	[dreg:$0x0] =	wrdreg $0xFFFFFFFF;
	(pc) =	sbr.abs _section_cstart, $3  }
0x38: {  	[dreg:$0x1] =	wrdreg $0xFFFFFFFF  }
0x39: {  	_ =	task.clear_ibuf [dreg:s7], $0x2FFFF;
	_ =	strace $0x9FFFFFFF  }
0x3a: {  	(tm) =	ssettm $0x7FFFFFFF  }
0x3b: {  	_ =	shalt  }
tec
execute0_lowered:
.L_overlay_start_1:
0x0: {  	(tag) =	ssettag $0x1  }
0x1: {  	s0 =	srdreg.scid  }
0x2: {  	s1 =	sshll.u32 s0, $0x4  }
0x3: {  	s4 =	rddreg [dreg:$0x0];
	s0 =	stileid.u32;
	s1 =	sand.u32 $0x10, s1  }
0x4: {  	s2 =	rddreg [dreg:$0x1];
	s7 =	simm.s32 $0x1;
	s1 =	sor.u32 s0, s1  }
0x5: {  	s8 =	simm.s32 $0x2;
	s11 =	simm.s32 $0x0;
	s3 =	sshll.u32 s1, $0x7  }
0x6: {  	s10 =	simm.s32 $0x0;
	s4 =	sadd.s32 $0x800, s4;
	s6 =	ssub.s32 $0x50000, s3  }
.Ltmp0:
0x7: {  	s1 =	rddreg [dreg:$0x2];
	s5 =	sand.u32 $0xF80, s6;
	(pc) =	sbr.rel .LBB1_1-.Ltmp0, $4  }
0x8: {  	_ =	strace $0x8000004A;
	s9 =	smov.u32 s3;
	p0 =	sne.s32 s5, $0x0  }
0x9: {  	s6 =	sshrl.u32 s6, $0xC;
	s5 =	simm.s32 $0x1;
	s7 =	simm.s32 @!p0 $0x0  }
0xa: {  	[sflag:s5] =	ssyncpa.u1 $0x0;
	p0 =	por $0x0, $0x0;
	s6 =	sadd.s32 s7, s6  }
0xb: {  	[sflag:s8] =	ssyncpa.u1 $0x0;
	s8 =	simm.s32 $0x280000;
	s7 =	sadd.s32 $0x1, s6  }
.LBB1_4:
0xc: {  	s14 =	sshll.u32 s11, $0x3  }
0xd: {  	s30 =	sand.u32 $0x7F, s11;
	s15 =	sand.u32 $0xFFFFFC00, s14  }
0xe: {  	s11 =	sor.u32 s30, s15  }
0xf: {  	s15 =	smulhi.u32 $0xCCCCCCCD, s11  }
0x10: {  	s14 =	smulhi.u32 $0xCCCCCCCD, s14  }
0x11: {  	s15 =	sshrl.u32 s15, $0x12  }
0x12: {  	s14 =	sshrl.u32 s14, $0x12;
	s15 =	smul.u32 $0x50000, s15  }
0x13: {  	s14 =	sand.u32 $0x3F, s14  }
0x14: {  	s14 =	smul.u32 $0xA000, s14;
	s11 =	ssub.s32 s11, s15  }
0x15: {  	[tilespmem:s13+$0x810 ss:$0x81] =	vst.msk $0xffff, v2;
	s15 =	sand.u32 $0x7, s11  }
0x16: {  	[tilespmem:s13+$0x1020 ss:$0x81] =	vst.msk $0xffff, v0;
	s14 =	sadd.s32 s2, s14;
	s11 =	sshrl.u32 s11, $0x3;
	s15 =	sshll.u32 s15, $0x12  }
0x17: {  	[tilespmem:s13+$0x0 ss:$0x81] =	vst.msk $0xffff, v1;
	s11 =	sadd.s32 s11, s14;
	s31 =	sor.u32 $0x400, s15  }
0x18: {  	[hbm4b:s11+s31] =	stream.strided.scatter [tilespmem:s12], [sflag:$0x2], $0x2000, s8, s31, $0x20;
	[tilespmem:$0x8080] =	vst v63  }
.LBB1_5:
0x19: {  	s13 =	sadd.s32 $0x1000, s9  }
0x1a: {  	p2 =	sgt.s32 s13, $0x4FFFF  }
0x1b: {  	s13 =	smov.u32 @p2 s3;
	p2 =	sne.s32 s10, s7  }
.Ltmp1:
0x1c: {  	p1 =	slt.u32 s10, $0x2;
	(pc) =	sbr.rel @!p2 .LBB1_6-.Ltmp1, $4  }
0x1d: {  	s12 =	simm.s32 @!p1 $0x2  }
0x1e: {  	s14 =	sadd.s32 $0x1, s10;
	_ =	swait.ge @!p1 [sflag:s12], $0x2000  }
0x1f: {  	s11 =	smov.u32 s9;
	p0 =	por !p0, !p0;
	[sflag:s12] =	ssyncset.done @!p1 $0x0  }
0x20: {  	s10 =	smov.u32 s14;
	s9 =	smov.u32 s13;
	[sflag:s12] =	ssyncadd.s32 @!p1 $0xFFFFE000  }
.LBB1_1:
0x21: {  	p1 =	sge.u32 s10, s6  }
0x22: {  	s12 =	sand.u32 @!p1 $0x1FFFFFF, s9  }
0x23: {  	s13 =	smulhi.u32 @!p1 $0xCCCCCD, s12;
	_ =	sdelay $0x1  }
0x24: {  	s13 =	sshrl.u32 @!p1 s13, $0xA  }
0x25: {  	s13 =	smul.u32 @!p1 $0x50000, s13;
	_ =	sdelay $0x1  }
0x26: {  	s31 =	sadd.s32 $0xFFFFFFFF, s10;
	s14 =	sxor.u32 @!p1 $0xFFFFFFFF, s10;
	s12 =	ssub.s32 @!p1 s12, s13  }
0x27: {  	s15 =	simm.s32 @!p1 $0x80;
	s14 =	sshll.u32 @!p1 s14, $0xD;
	s12 =	sshll.u32 @!p1 s12, $0x4  }
0x28: {  	s13 =	sand.u32 @!p1 $0x2000, s14;
	s14 =	simm.s32 @!p1 $0x40;
	s12 =	sadd.s32 @!p1 s4, s12  }
0x29: {  	[tilespmem:s13], [sflag:$0x1] =	stream.strided.gather @!p1 [hbm4b:s12+s14], $0x2000, s15, s14, $0x38;
	[tilespmem:$0x8080] =	vst v63  }
0x2a: {  	p1 =	sge.u32 s31, s6  }
.Ltmp2:
0x2b: {  	_ = 	snop;
	(pc) =	sbr.rel @p1 .LBB1_5-.Ltmp2, $1  }
0x2c: {  	_ =	sdelay $0x3  }
0x2d: {  	s12 =	simm.s32 $0x1  }
0x2e: {  	_ =	swait.ge [sflag:s5], $0x2000;
	s12 =	simm.s32 @!p0 $0x0  }
0x2f: {  	[sflag:s5] =	ssyncset.done $0x0;
	s13 =	sshll.u32 s12, $0xD  }
0x30: {  	[sflag:s5] =	ssyncadd.s32 $0xFFFFE000;
	s16 =	sor.u32 $0x20, s13  }
0x31: {  	s12 =	smul.u32 $0x8100, s12;
	v3 =	vld [tilespmem:s16+$0x10]  }
0x32: {  	s30 =	sand.u32 $0x1, s10;
	v2 =	vld [tilespmem:s16+$0xFFFFFFF0]  }
0x33: {  	s13 =	smul.u32 $0x8100, s30;
	s12 =	sshrl.u32 s12, $0x2;
	v0 =	vld [tilespmem:s16+$0x0]  }
0x34: {  	v1 =	vld [tilespmem:s16+$0xFFFFFFE0];
	s14 =	sor.u32 $0x4000, s12  }
0x35: {  	s31 =	sshrl.u32 s13, $0x2;
	s13 =	sadd.s32 $0x0, s14  }
0x36: {  	s15 =	simm.s32 $0x4;
	s16 =	sadd.s32 $0x40, s16;
	s12 =	sor.u32 $0x4000, s31;
	[tilespmem:s13+$0x1830 ss:$0x81] =	vst.msk $0xffff, v3  }
.LBB1_3:
0x37: {  	v3 =	vld [tilespmem:s16+$0x10];
	p1 =	sne.s32 s15, $0x1FC;
	[tilespmem:s13+$0x810 ss:$0x81] =	vst.msk $0xffff, v2;
	s17 =	smov.u32 s15;
	s15 =	sadd.s32 $0x4, s15  }
.Ltmp3:
0x38: {  	v2 =	vld [tilespmem:s16+$0xFFFFFFF0];
	[tilespmem:s13+$0x1020 ss:$0x81] =	vst.msk $0xffff, v0;
	(pc) =	sbr.rel @p1 .LBB1_3-.Ltmp3, $4  }
0x39: {  	v0 =	vld [tilespmem:s16+$0x0];
	[tilespmem:s13+$0x0 ss:$0x81] =	vst.msk $0xffff, v1  }
0x3a: {  	s13 =	sshra.s32 s17, $0x2;
	v1 =	vld [tilespmem:s16+$0xFFFFFFE0]  }
0x3b: {  	s13 =	sadd.s32 s13, s14  }
0x3c: {  	s16 =	sadd.s32 $0x40, s16;
	[tilespmem:s13+$0x1830 ss:$0x81] =	vst.msk $0xffff, v3  }
.Ltmp4:
0x3d: {  	_ = 	snop;
	(pc) =	sbr.rel .LBB1_4-.Ltmp4, $1  }
0x3e: {  	_ =	sdelay $0x3  }
.LBB1_6:
0x3f: {  	_ =	sfence.sel $0x180000  }
0x40: {  	s2 =	simm.s32 $0x1;
	[bflag:$0x0] =	sbarrier.arrive $0xFFFF  }
0x41: {  	s31 =	simm.s32 $0x2;
	[sflag:s2] =	ssyncpa.u1 $0x1  }
0x42: {  	[sflag:s31] =	ssyncpa.u1 $0x1  }
0x43: {  	p0 =	sne.s32 s0, $0x0;
	_ =	strace $0x9000004A  }
0x44: {  	s0 =	sadd.s32 @!p0 $0x100000, s1;
	[bflag:$0x2] =	sbarrier.arrive $0xFFFF  }
0x45: {  	[sflag:s0] =	ssyncadd.tile.s32 @!p0 $0x1;
	_ =	shalt  }
.Lfunc_end1:
_tile_overlayer_lowered:
.L_overlay_start_2:
0x46: {  	(tag) =	ssettag $0x2  }
0x47: {  	s0 =	rddreg [dreg:$0x0];
	s2 =	stileid.u32  }
0x48: {  	s1 =	rddreg [dreg:$0x1];
	p0 =	sne.s32 s2, $0x0  }
0x49: {  	s3 =	rddreg [dreg:$0x2];
	[bflag:$0x3] =	sbarrier.arrive $0xFFFF;
	s2 =	simm.s32 @!p0 $0x1C01  }
0x4a: {  	[timem:s3], [sflag:s2] =	dma.local @!p0 [hbm:s0], s1  }
0x4b: {  	s0 =	simm.s32 @!p0 $0x1  }
0x4c: {  	_ =	swait.ge @!p0 [sflag:s0], s1  }
0x4d: {  	s1 =	ssub.s32 @!p0 $0x0, s1;
	[sflag:s0] =	ssyncset.done @!p0 $0x0  }
0x4e: {  	[sflag:s0] =	ssyncadd.s32 @!p0 s1  }
0x4f: {  	[bflag:$0x3] =	sbarrier.arrive $0xFFFF  }
0x50: {  	_ =	shalt  }

</sc_bundles>
